<compile_context>
chip_gen: v7x
topology: tpu7x:2x2x1
jax: 0.10.2.dev20260603
libtpu: 0.0.44.dev20260713+nightly
codegen_flags: <defaults>
</compile_context>

<pallas_src>
import functools

import jax
import jax.numpy as jnp
from jax import lax
from jax.experimental import pallas as pl
from jax.experimental.pallas import tpu as pltpu
from jax.experimental.pallas import tpu_sc as plsc

BATCH = 16384
D = 64

_info = plsc.get_sparse_core_info()
NC, NS = _info.num_cores, _info.num_subcores
NW = NC * NS
B_PER_W = BATCH // NW
CH = 256
N_CHUNKS = B_PER_W // CH


def _make_gather_kernel():
    mesh = plsc.VectorSubcoreMesh(core_axis_name="c", subcore_axis_name="s")

    @functools.partial(
        pl.kernel,
        mesh=mesh,
        out_type=(
            jax.ShapeDtypeStruct((BATCH, D), jnp.float32),
            jax.ShapeDtypeStruct((BATCH, D), jnp.float32),
        ),
        scratch_types=[
            pltpu.VMEM((B_PER_W,), jnp.int32),
            pltpu.VMEM((CH, D), jnp.float32),
            pltpu.VMEM((B_PER_W,), jnp.int32),
            pltpu.VMEM((CH, D), jnp.float32),
            pltpu.SemaphoreType.DMA,
            pltpu.SemaphoreType.DMA,
        ],
    )
    def gather_kernel(
        user_hbm,
        item_hbm,
        uw_hbm,
        iw_hbm,
        uout_hbm,
        iout_hbm,
        uidx_v,
        urows_v,
        iidx_v,
        irows_v,
        usem,
        isem,
    ):
        wid = lax.axis_index("s") * NC + lax.axis_index("c")
        base = wid * B_PER_W
        pltpu.sync_copy(user_hbm.at[pl.ds(base, B_PER_W)], uidx_v)
        pltpu.sync_copy(item_hbm.at[pl.ds(base, B_PER_W)], iidx_v)

        for c in range(N_CHUNKS):
            off = c * CH

            def issue_u(g, _):
                v = uidx_v[pl.ds(off + g * 16, 16)]
                for k in range(16):
                    pltpu.async_copy(
                        uw_hbm.at[pl.ds(v[k], 1), :],
                        urows_v.at[pl.ds(g * 16 + k, 1), :],
                        usem,
                    )
                return 0

            def issue_i(g, _):
                v = iidx_v[pl.ds(off + g * 16, 16)]
                for k in range(16):
                    pltpu.async_copy(
                        iw_hbm.at[pl.ds(v[k], 1), :],
                        irows_v.at[pl.ds(g * 16 + k, 1), :],
                        isem,
                    )
                return 0

            lax.fori_loop(0, CH // 16, issue_u, 0)
            lax.fori_loop(0, CH // 16, issue_i, 0)

            def drain_u(j, _):
                pltpu.make_async_copy(
                    uw_hbm.at[pl.ds(0, 1), :], urows_v.at[pl.ds(j, 1), :], usem
                ).wait()
                return 0

            def drain_i(j, _):
                pltpu.make_async_copy(
                    iw_hbm.at[pl.ds(0, 1), :], irows_v.at[pl.ds(j, 1), :], isem
                ).wait()
                return 0

            lax.fori_loop(0, CH, drain_u, 0)
            pltpu.sync_copy(urows_v, uout_hbm.at[pl.ds(base + off, CH)])
            lax.fori_loop(0, CH, drain_i, 0)
            pltpu.sync_copy(irows_v, iout_hbm.at[pl.ds(base + off, CH)])

    return gather_kernel


_gather = _make_gather_kernel()


@jax.jit
def kernel(user, item, user_weight, item_weight):
    user = user.astype(jnp.int32)
    item = item.astype(jnp.int32)
    return _gather(user, item, user_weight, item_weight)

# --- scband reference (transcript-rebuilt; emitter-appended) ---
"""Pipeline reference for scband-rlbackbone-25357486915688 (READ-ONLY COPY).

The authoritative reference and input builder live on the scoring server;
editing this copy changes nothing except your own understanding.
"""

import jax, jax.numpy as jnp
import numpy as np

NUM_USERS = 1000001  # +1 stop row on users, per BPRMF.RLmodel()
NUM_ITEMS = 1000000
EMBED_DIM = 64
BATCH = 16384


def setup_inputs(seed: int = 0) -> dict:
    key = jax.random.key(seed)
    k1, k2, k3, k4 = jax.random.split(key, 4)
    user = jax.random.randint(k1, (BATCH,), 0, 1000000, dtype=jnp.int64 if jax.config.jax_enable_x64 else jnp.int32)
    item = jax.random.randint(k2, (BATCH,), 0, 1000000, dtype=jnp.int64 if jax.config.jax_enable_x64 else jnp.int32)
    # frozen pretrained tables, materialized as plain arrays
    user_weight = jax.random.normal(k3, (NUM_USERS, EMBED_DIM), dtype=jnp.float32)
    item_weight = jax.random.normal(k4, (NUM_ITEMS, EMBED_DIM), dtype=jnp.float32)
    return {"user": user, "item": item, "user_weight": user_weight, "item_weight": item_weight}


def reference(user, item, user_weight, item_weight):
    # _RLBackbone: get_user_embedding(user), get_item_embedding(item)
    # nn.Embedding lookup == row gather
    user_emb = jnp.take(user_weight, user, axis=0)
    item_emb = jnp.take(item_weight, item, axis=0)
    return (user_emb, item_emb)

if __name__ == "__main__":
    import jax
    _d = setup_inputs()
    print(jax.jit(kernel)(*tuple(_d.values())))

</pallas_src>

<mosaic_0001>
#map = affine_map<(d0, d1) -> (0)>
#map1 = affine_map<(d0, d1) -> (0, 0)>
module attributes {stable_mosaic.version = 14 : i64} {
  func.func @gather_kernel(%arg0: i32, %arg1: i32, %arg2: memref<16384xi32, #tpu.memory_space<hbm>>, %arg3: memref<16384xi32, #tpu.memory_space<hbm>>, %arg4: memref<1000001x64xf32, #tpu.memory_space<hbm>>, %arg5: memref<1000000x64xf32, #tpu.memory_space<hbm>>, %arg6: memref<16384x64xf32, #tpu.memory_space<hbm>>, %arg7: memref<16384x64xf32, #tpu.memory_space<hbm>>, %arg8: memref<512xi32, #tpu.memory_space<vmem>>, %arg9: memref<256x64xf32, #tpu.memory_space<vmem>>, %arg10: memref<512xi32, #tpu.memory_space<vmem>>, %arg11: memref<256x64xf32, #tpu.memory_space<vmem>>, %arg12: memref<!tpu.dma_semaphore, #tpu.memory_space<semaphore_mem>>, %arg13: memref<!tpu.dma_semaphore, #tpu.memory_space<semaphore_mem>>) attributes {dimension_semantics = [#tpu.dimension_semantics<core_parallel>, #tpu.dimension_semantics<subcore_parallel>], iteration_bounds = array<i64: 2, 16>, scalar_prefetch = 0 : i64, scratch_operands = 6 : i64, tpu.core_type = #tpu.core_type<sc_vector_subcore>, window_params = [{transform_indices = #map}, {transform_indices = #map}, {transform_indices = #map1}, {transform_indices = #map1}, {transform_indices = #map1}, {transform_indices = #map1}]} {
    %mul3A = arith.constant 2 : i32
    %mul3A_0 = arith.muli %arg1, %mul3A : i32
    %add3A = arith.addi %mul3A_0, %arg0 : i32
    %mul3A_1 = arith.constant 512 : i32
    %mul3A_2 = arith.muli %add3A, %mul3A_1 : i32
    "tpu.region"() ({
      %run_scoped3A = tpu.sem_alloc : memref<!tpu.dma_semaphore, #tpu.memory_space<semaphore_mem>>
      %dma_start3A = tpu.memref_slice %arg2[%mul3A_2] : memref<16384xi32, #tpu.memory_space<hbm>> -> memref<512xi32, #tpu.memory_space<hbm>>
      %dma_start3A_66 = tpu.memref_slice %arg2[%mul3A_2] : memref<16384xi32, #tpu.memory_space<hbm>> -> memref<512xi32, #tpu.memory_space<hbm>>
      tpu.enqueue_dma source(%dma_start3A_66 : memref<512xi32, #tpu.memory_space<hbm>>) target(%arg8 : memref<512xi32, #tpu.memory_space<vmem>>) target_semaphore(%run_scoped3A : memref<!tpu.dma_semaphore, #tpu.memory_space<semaphore_mem>>)
      %dma_wait3A = tpu.memref_slice %arg2[%mul3A_2] : memref<16384xi32, #tpu.memory_space<hbm>> -> memref<512xi32, #tpu.memory_space<hbm>>
      %dma_wait3A_67 = tpu.memref_slice %arg2[%mul3A_2] : memref<16384xi32, #tpu.memory_space<hbm>> -> memref<512xi32, #tpu.memory_space<hbm>>
      tpu.wait_dma2 semaphore(%run_scoped3A : memref<!tpu.dma_semaphore, #tpu.memory_space<semaphore_mem>>) src(%dma_wait3A_67 : memref<512xi32, #tpu.memory_space<hbm>>) dst(%arg8 : memref<512xi32, #tpu.memory_space<vmem>>)
      tpu.yield
    }) : () -> ()
    "tpu.region"() ({
      %run_scoped3A = tpu.sem_alloc : memref<!tpu.dma_semaphore, #tpu.memory_space<semaphore_mem>>
      %dma_start3A = tpu.memref_slice %arg3[%mul3A_2] : memref<16384xi32, #tpu.memory_space<hbm>> -> memref<512xi32, #tpu.memory_space<hbm>>
      %dma_start3A_66 = tpu.memref_slice %arg3[%mul3A_2] : memref<16384xi32, #tpu.memory_space<hbm>> -> memref<512xi32, #tpu.memory_space<hbm>>
      tpu.enqueue_dma source(%dma_start3A_66 : memref<512xi32, #tpu.memory_space<hbm>>) target(%arg10 : memref<512xi32, #tpu.memory_space<vmem>>) target_semaphore(%run_scoped3A : memref<!tpu.dma_semaphore, #tpu.memory_space<semaphore_mem>>)
      %dma_wait3A = tpu.memref_slice %arg3[%mul3A_2] : memref<16384xi32, #tpu.memory_space<hbm>> -> memref<512xi32, #tpu.memory_space<hbm>>
      %dma_wait3A_67 = tpu.memref_slice %arg3[%mul3A_2] : memref<16384xi32, #tpu.memory_space<hbm>> -> memref<512xi32, #tpu.memory_space<hbm>>
      tpu.wait_dma2 semaphore(%run_scoped3A : memref<!tpu.dma_semaphore, #tpu.memory_space<semaphore_mem>>) src(%dma_wait3A_67 : memref<512xi32, #tpu.memory_space<hbm>>) dst(%arg10 : memref<512xi32, #tpu.memory_space<vmem>>)
      tpu.yield
    }) : () -> ()
    %scan3A = arith.constant 0 : i32
    %scan3A_3 = arith.constant 0 : i32
    %scan3A_4 = arith.constant 16 : i32
    %scan3A_5 = arith.addi %scan3A_3, %scan3A_4 : i32
    %scan3A_6 = arith.constant 1 : i32
    %scan3A_7 = scf.for %scan3A_66 = %scan3A_3 to %scan3A_5 step %scan3A_6 iter_args(%scan3A_67 = %scan3A) -> (i32)  : i32 {
      %mul3A_68 = arith.constant 16 : i32
      %mul3A_69 = arith.muli %scan3A_66, %mul3A_68 : i32
      %add3A_70 = arith.constant 0 : i32
      %add3A_71 = arith.addi %add3A_70, %mul3A_69 : i32
      %get3A = arith.index_cast %add3A_71 : i32 to index
      %get3A_72 = tpu.vector_load %arg8[%get3A] {strides = array<i32>} : memref<512xi32, #tpu.memory_space<vmem>>, vector<16xi32>,
      %get3A_73 = vector.shape_cast %get3A_72 : vector<16xi32> to vector<16xi32>
      %slice3A = vector.extract_strided_slice %get3A_73 {offsets = [0], sizes = [1], strides = [1]} : vector<16xi32> to vector<1xi32>
      %squeeze3A = vector.extract %slice3A[0] : i32 from vector<1xi32>
      %mul3A_74 = arith.constant 16 : i32
      %mul3A_75 = arith.muli %scan3A_66, %mul3A_74 : i32
      %add3A_76 = arith.constant 0 : i32
      %add3A_77 = arith.addi %mul3A_75, %add3A_76 : i32
      %dma_start3A = arith.constant 0 : i32
      %dma_start3A_78 = tpu.memref_slice %arg9[%add3A_77, %dma_start3A] : memref<256x64xf32, #tpu.memory_space<vmem>> -> memref<1x64xf32, #tpu.memory_space<vmem>>
      %dma_start3A_79 = arith.constant 0 : i32
      %dma_start3A_80 = tpu.memref_slice %arg4[%squeeze3A, %dma_start3A_79] : memref<1000001x64xf32, #tpu.memory_space<hbm>> -> memref<1x64xf32, #tpu.memory_space<hbm>>
      %dma_start3A_81 = arith.constant 0 : i32
      %dma_start3A_82 = tpu.memref_slice %arg9[%add3A_77, %dma_start3A_81] : memref<256x64xf32, #tpu.memory_space<vmem>> -> memref<1x64xf32, #tpu.memory_space<vmem>>
      %dma_start3A_83 = arith.constant 0 : i32
      %dma_start3A_84 = tpu.memref_slice %arg4[%squeeze3A, %dma_start3A_83] : memref<1000001x64xf32, #tpu.memory_space<hbm>> -> memref<1x64xf32, #tpu.memory_space<hbm>>
      tpu.enqueue_dma source(%dma_start3A_84 : memref<1x64xf32, #tpu.memory_space<hbm>>) target(%dma_start3A_82 : memref<1x64xf32, #tpu.memory_space<vmem>>) target_semaphore(%arg12 : memref<!tpu.dma_semaphore, #tpu.memory_space<semaphore_mem>>)
      %slice3A_85 = vector.extract_strided_slice %get3A_73 {offsets = [1], sizes = [1], strides = [1]} : vector<16xi32> to vector<1xi32>
      %squeeze3A_86 = vector.extract %slice3A_85[0] : i32 from vector<1xi32>
      %mul3A_87 = arith.constant 16 : i32
      %mul3A_88 = arith.muli %scan3A_66, %mul3A_87 : i32
      %add3A_89 = arith.constant 1 : i32
      %add3A_90 = arith.addi %mul3A_88, %add3A_89 : i32
      %dma_start3A_91 = arith.constant 0 : i32
      %dma_start3A_92 = tpu.memref_slice %arg9[%add3A_90, %dma_start3A_91] : memref<256x64xf32, #tpu.memory_space<vmem>> -> memref<1x64xf32, #tpu.memory_space<vmem>>
      %dma_start3A_93 = arith.constant 0 : i32
      %dma_start3A_94 = tpu.memref_slice %arg4[%squeeze3A_86, %dma_start3A_93] : memref<1000001x64xf32, #tpu.memory_space<hbm>> -> memref<1x64xf32, #tpu.memory_space<hbm>>
      %dma_start3A_95 = arith.constant 0 : i32
      %dma_start3A_96 = tpu.memref_slice %arg9[%add3A_90, %dma_start3A_95] : memref<256x64xf32, #tpu.memory_space<vmem>> -> memref<1x64xf32, #tpu.memory_space<vmem>>
      %dma_start3A_97 = arith.constant 0 : i32
      %dma_start3A_98 = tpu.memref_slice %arg4[%squeeze3A_86, %dma_start3A_97] : memref<1000001x64xf32, #tpu.memory_space<hbm>> -> memref<1x64xf32, #tpu.memory_space<hbm>>
      tpu.enqueue_dma source(%dma_start3A_98 : memref<1x64xf32, #tpu.memory_space<hbm>>) target(%dma_start3A_96 : memref<1x64xf32, #tpu.memory_space<vmem>>) target_semaphore(%arg12 : memref<!tpu.dma_semaphore, #tpu.memory_space<semaphore_mem>>)
      %slice3A_99 = vector.extract_strided_slice %get3A_73 {offsets = [2], sizes = [1], strides = [1]} : vector<16xi32> to vector<1xi32>
      %squeeze3A_100 = vector.extract %slice3A_99[0] : i32 from vector<1xi32>
      %mul3A_101 = arith.constant 16 : i32
      %mul3A_102 = arith.muli %scan3A_66, %mul3A_101 : i32
      %add3A_103 = arith.constant 2 : i32
      %add3A_104 = arith.addi %mul3A_102, %add3A_103 : i32
      %dma_start3A_105 = arith.constant 0 : i32
      %dma_start3A_106 = tpu.memref_slice %arg9[%add3A_104, %dma_start3A_105] : memref<256x64xf32, #tpu.memory_space<vmem>> -> memref<1x64xf32, #tpu.memory_space<vmem>>
      %dma_start3A_107 = arith.constant 0 : i32
      %dma_start3A_108 = tpu.memref_slice %arg4[%squeeze3A_100, %dma_start3A_107] : memref<1000001x64xf32, #tpu.memory_space<hbm>> -> memref<1x64xf32, #tpu.memory_space<hbm>>
      %dma_start3A_109 = arith.constant 0 : i32
      %dma_start3A_110 = tpu.memref_slice %arg9[%add3A_104, %dma_start3A_109] : memref<256x64xf32, #tpu.memory_space<vmem>> -> memref<1x64xf32, #tpu.memory_space<vmem>>
      %dma_start3A_111 = arith.constant 0 : i32
      %dma_start3A_112 = tpu.memref_slice %arg4[%squeeze3A_100, %dma_start3A_111] : memref<1000001x64xf32, #tpu.memory_space<hbm>> -> memref<1x64xf32, #tpu.memory_space<hbm>>
      tpu.enqueue_dma source(%dma_start3A_112 : memref<1x64xf32, #tpu.memory_space<hbm>>) target(%dma_start3A_110 : memref<1x64xf32, #tpu.memory_space<vmem>>) target_semaphore(%arg12 : memref<!tpu.dma_semaphore, #tpu.memory_space<semaphore_mem>>)
      %slice3A_113 = vector.extract_strided_slice %get3A_73 {offsets = [3], sizes = [1], strides = [1]} : vector<16xi32> to vector<1xi32>
      %squeeze3A_114 = vector.extract %slice3A_113[0] : i32 from vector<1xi32>
      %mul3A_115 = arith.constant 16 : i32
      %mul3A_116 = arith.muli %scan3A_66, %mul3A_115 : i32
      %add3A_117 = arith.constant 3 : i32
      %add3A_118 = arith.addi %mul3A_116, %add3A_117 : i32
      %dma_start3A_119 = arith.constant 0 : i32
      %dma_start3A_120 = tpu.memref_slice %arg9[%add3A_118, %dma_start3A_119] : memref<256x64xf32, #tpu.memory_space<vmem>> -> memref<1x64xf32, #tpu.memory_space<vmem>>
      %dma_start3A_121 = arith.constant 0 : i32
      %dma_start3A_122 = tpu.memref_slice %arg4[%squeeze3A_114, %dma_start3A_121] : memref<1000001x64xf32, #tpu.memory_space<hbm>> -> memref<1x64xf32, #tpu.memory_space<hbm>>
      %dma_start3A_123 = arith.constant 0 : i32
      %dma_start3A_124 = tpu.memref_slice %arg9[%add3A_118, %dma_start3A_123] : memref<256x64xf32, #tpu.memory_space<vmem>> -> memref<1x64xf32, #tpu.memory_space<vmem>>
      %dma_start3A_125 = arith.constant 0 : i32
      %dma_start3A_126 = tpu.memref_slice %arg4[%squeeze3A_114, %dma_start3A_125] : memref<1000001x64xf32, #tpu.memory_space<hbm>> -> memref<1x64xf32, #tpu.memory_space<hbm>>
      tpu.enqueue_dma source(%dma_start3A_126 : memref<1x64xf32, #tpu.memory_space<hbm>>) target(%dma_start3A_124 : memref<1x64xf32, #tpu.memory_space<vmem>>) target_semaphore(%arg12 : memref<!tpu.dma_semaphore, #tpu.memory_space<semaphore_mem>>)
      %slice3A_127 = vector.extract_strided_slice %get3A_73 {offsets = [4], sizes = [1], strides = [1]} : vector<16xi32> to vector<1xi32>
      %squeeze3A_128 = vector.extract %slice3A_127[0] : i32 from vector<1xi32>
      %mul3A_129 = arith.constant 16 : i32
      %mul3A_130 = arith.muli %scan3A_66, %mul3A_129 : i32
      %add3A_131 = arith.constant 4 : i32
      %add3A_132 = arith.addi %mul3A_130, %add3A_131 : i32
      %dma_start3A_133 = arith.constant 0 : i32
      %dma_start3A_134 = tpu.memref_slice %arg9[%add3A_132, %dma_start3A_133] : memref<256x64xf32, #tpu.memory_space<vmem>> -> memref<1x64xf32, #tpu.memory_space<vmem>>
      %dma_start3A_135 = arith.constant 0 : i32
      %dma_start3A_136 = tpu.memref_slice %arg4[%squeeze3A_128, %dma_start3A_135] : memref<1000001x64xf32, #tpu.memory_space<hbm>> -> memref<1x64xf32, #tpu.memory_space<hbm>>
      %dma_start3A_137 = arith.constant 0 : i32
      %dma_start3A_138 = tpu.memref_slice %arg9[%add3A_132, %dma_start3A_137] : memref<256x64xf32, #tpu.memory_space<vmem>> -> memref<1x64xf32, #tpu.memory_space<vmem>>
      %dma_start3A_139 = arith.constant 0 : i32
      %dma_start3A_140 = tpu.memref_slice %arg4[%squeeze3A_128, %dma_start3A_139] : memref<1000001x64xf32, #tpu.memory_space<hbm>> -> memref<1x64xf32, #tpu.memory_space<hbm>>
      tpu.enqueue_dma source(%dma_start3A_140 : memref<1x64xf32, #tpu.memory_space<hbm>>) target(%dma_start3A_138 : memref<1x64xf32, #tpu.memory_space<vmem>>) target_semaphore(%arg12 : memref<!tpu.dma_semaphore, #tpu.memory_space<semaphore_mem>>)
      %slice3A_141 = vector.extract_strided_slice %get3A_73 {offsets = [5], sizes = [1], strides = [1]} : vector<16xi32> to vector<1xi32>
      %squeeze3A_142 = vector.extract %slice3A_141[0] : i32 from vector<1xi32>
      %mul3A_143 = arith.constant 16 : i32
      %mul3A_144 = arith.muli %scan3A_66, %mul3A_143 : i32
      %add3A_145 = arith.constant 5 : i32
      %add3A_146 = arith.addi %mul3A_144, %add3A_145 : i32
      %dma_start3A_147 = arith.constant 0 : i32
      %dma_start3A_148 = tpu.memref_slice %arg9[%add3A_146, %dma_start3A_147] : memref<256x64xf32, #tpu.memory_space<vmem>> -> memref<1x64xf32, #tpu.memory_space<vmem>>
      %dma_start3A_149 = arith.constant 0 : i32
      %dma_start3A_150 = tpu.memref_slice %arg4[%squeeze3A_142, %dma_start3A_149] : memref<1000001x64xf32, #tpu.memory_space<hbm>> -> memref<1x64xf32, #tpu.memory_space<hbm>>
      %dma_start3A_151 = arith.constant 0 : i32
      %dma_start3A_152 = tpu.memref_slice %arg9[%add3A_146, %dma_start3A_151] : memref<256x64xf32, #tpu.memory_space<vmem>> -> memref<1x64xf32, #tpu.memory_space<vmem>>
      %dma_start3A_153 = arith.constant 0 : i32
      %dma_start3A_154 = tpu.memref_slice %arg4[%squeeze3A_142, %dma_start3A_153] : memref<1000001x64xf32, #tpu.memory_space<hbm>> -> memref<1x64xf32, #tpu.memory_space<hbm>>
      tpu.enqueue_dma source(%dma_start3A_154 : memref<1x64xf32, #tpu.memory_space<hbm>>) target(%dma_start3A_152 : memref<1x64xf32, #tpu.memory_space<vmem>>) target_semaphore(%arg12 : memref<!tpu.dma_semaphore, #tpu.memory_space<semaphore_mem>>)
      %slice3A_155 = vector.extract_strided_slice %get3A_73 {offsets = [6], sizes = [1], strides = [1]} : vector<16xi32> to vector<1xi32>
      %squeeze3A_156 = vector.extract %slice3A_155[0] : i32 from vector<1xi32>
      %mul3A_157 = arith.constant 16 : i32
      %mul3A_158 = arith.muli %scan3A_66, %mul3A_157 : i32
      %add3A_159 = arith.constant 6 : i32
      %add3A_160 = arith.addi %mul3A_158, %add3A_159 : i32
      %dma_start3A_161 = arith.constant 0 : i32
      %dma_start3A_162 = tpu.memref_slice %arg9[%add3A_160, %dma_start3A_161] : memref<256x64xf32, #tpu.memory_space<vmem>> -> memref<1x64xf32, #tpu.memory_space<vmem>>
      %dma_start3A_163 = arith.constant 0 : i32
      %dma_start3A_164 = tpu.memref_slice %arg4[%squeeze3A_156, %dma_start3A_163] : memref<1000001x64xf32, #tpu.memory_space<hbm>> -> memref<1x64xf32, #tpu.memory_space<hbm>>
      %dma_start3A_165 = arith.constant 0 : i32
      %dma_start3A_166 = tpu.memref_slice %arg9[%add3A_160, %dma_start3A_165] : memref<256x64xf32, #tpu.memory_space<vmem>> -> memref<1x64xf32, #tpu.memory_space<vmem>>
      %dma_start3A_167 = arith.constant 0 : i32
      %dma_start3A_168 = tpu.memref_slice %arg4[%squeeze3A_156, %dma_start3A_167] : memref<1000001x64xf32, #tpu.memory_space<hbm>> -> memref<1x64xf32, #tpu.memory_space<hbm>>
      tpu.enqueue_dma source(%dma_start3A_168 : memref<1x64xf32, #tpu.memory_space<hbm>>) target(%dma_start3A_166 : memref<1x64xf32, #tpu.memory_space<vmem>>) target_semaphore(%arg12 : memref<!tpu.dma_semaphore, #tpu.memory_space<semaphore_mem>>)
      %slice3A_169 = vector.extract_strided_slice %get3A_73 {offsets = [7], sizes = [1], strides = [1]} : vector<16xi32> to vector<1xi32>
      %squeeze3A_170 = vector.extract %slice3A_169[0] : i32 from vector<1xi32>
      %mul3A_171 = arith.constant 16 : i32
      %mul3A_172 = arith.muli %scan3A_66, %mul3A_171 : i32
      %add3A_173 = arith.constant 7 : i32
      %add3A_174 = arith.addi %mul3A_172, %add3A_173 : i32
      %dma_start3A_175 = arith.constant 0 : i32
      %dma_start3A_176 = tpu.memref_slice %arg9[%add3A_174, %dma_start3A_175] : memref<256x64xf32, #tpu.memory_space<vmem>> -> memref<1x64xf32, #tpu.memory_space<vmem>>
      %dma_start3A_177 = arith.constant 0 : i32
      %dma_start3A_178 = tpu.memref_slice %arg4[%squeeze3A_170, %dma_start3A_177] : memref<1000001x64xf32, #tpu.memory_space<hbm>> -> memref<1x64xf32, #tpu.memory_space<hbm>>
      %dma_start3A_179 = arith.constant 0 : i32
      %dma_start3A_180 = tpu.memref_slice %arg9[%add3A_174, %dma_start3A_179] : memref<256x64xf32, #tpu.memory_space<vmem>> -> memref<1x64xf32, #tpu.memory_space<vmem>>
      %dma_start3A_181 = arith.constant 0 : i32
      %dma_start3A_182 = tpu.memref_slice %arg4[%squeeze3A_170, %dma_start3A_181] : memref<1000001x64xf32, #tpu.memory_space<hbm>> -> memref<1x64xf32, #tpu.memory_space<hbm>>
      tpu.enqueue_dma source(%dma_start3A_182 : memref<1x64xf32, #tpu.memory_space<hbm>>) target(%dma_start3A_180 : memref<1x64xf32, #tpu.memory_space<vmem>>) target_semaphore(%arg12 : memref<!tpu.dma_semaphore, #tpu.memory_space<semaphore_mem>>)
      %slice3A_183 = vector.extract_strided_slice %get3A_73 {offsets = [8], sizes = [1], strides = [1]} : vector<16xi32> to vector<1xi32>
      %squeeze3A_184 = vector.extract %slice3A_183[0] : i32 from vector<1xi32>
      %mul3A_185 = arith.constant 16 : i32
      %mul3A_186 = arith.muli %scan3A_66, %mul3A_185 : i32
      %add3A_187 = arith.constant 8 : i32
      %add3A_188 = arith.addi %mul3A_186, %add3A_187 : i32
      %dma_start3A_189 = arith.constant 0 : i32
      %dma_start3A_190 = tpu.memref_slice %arg9[%add3A_188, %dma_start3A_189] : memref<256x64xf32, #tpu.memory_space<vmem>> -> memref<1x64xf32, #tpu.memory_space<vmem>>
      %dma_start3A_191 = arith.constant 0 : i32
      %dma_start3A_192 = tpu.memref_slice %arg4[%squeeze3A_184, %dma_start3A_191] : memref<1000001x64xf32, #tpu.memory_space<hbm>> -> memref<1x64xf32, #tpu.memory_space<hbm>>
      %dma_start3A_193 = arith.constant 0 : i32
      %dma_start3A_194 = tpu.memref_slice %arg9[%add3A_188, %dma_start3A_193] : memref<256x64xf32, #tpu.memory_space<vmem>> -> memref<1x64xf32, #tpu.memory_space<vmem>>
      %dma_start3A_195 = arith.constant 0 : i32
      %dma_start3A_196 = tpu.memref_slice %arg4[%squeeze3A_184, %dma_start3A_195] : memref<1000001x64xf32, #tpu.memory_space<hbm>> -> memref<1x64xf32, #tpu.memory_space<hbm>>
      tpu.enqueue_dma source(%dma_start3A_196 : memref<1x64xf32, #tpu.memory_space<hbm>>) target(%dma_start3A_194 : memref<1x64xf32, #tpu.memory_space<vmem>>) target_semaphore(%arg12 : memref<!tpu.dma_semaphore, #tpu.memory_space<semaphore_mem>>)
      %slice3A_197 = vector.extract_strided_slice %get3A_73 {offsets = [9], sizes = [1], strides = [1]} : vector<16xi32> to vector<1xi32>
      %squeeze3A_198 = vector.extract %slice3A_197[0] : i32 from vector<1xi32>
      %mul3A_199 = arith.constant 16 : i32
      %mul3A_200 = arith.muli %scan3A_66, %mul3A_199 : i32
      %add3A_201 = arith.constant 9 : i32
      %add3A_202 = arith.addi %mul3A_200, %add3A_201 : i32
      %dma_start3A_203 = arith.constant 0 : i32
      %dma_start3A_204 = tpu.memref_slice %arg9[%add3A_202, %dma_start3A_203] : memref<256x64xf32, #tpu.memory_space<vmem>> -> memref<1x64xf32, #tpu.memory_space<vmem>>
      %dma_start3A_205 = arith.constant 0 : i32
      %dma_start3A_206 = tpu.memref_slice %arg4[%squeeze3A_198, %dma_start3A_205] : memref<1000001x64xf32, #tpu.memory_space<hbm>> -> memref<1x64xf32, #tpu.memory_space<hbm>>
      %dma_start3A_207 = arith.constant 0 : i32
      %dma_start3A_208 = tpu.memref_slice %arg9[%add3A_202, %dma_start3A_207] : memref<256x64xf32, #tpu.memory_space<vmem>> -> memref<1x64xf32, #tpu.memory_space<vmem>>
      %dma_start3A_209 = arith.constant 0 : i32
      %dma_start3A_210 = tpu.memref_slice %arg4[%squeeze3A_198, %dma_start3A_209] : memref<1000001x64xf32, #tpu.memory_space<hbm>> -> memref<1x64xf32, #tpu.memory_space<hbm>>
      tpu.enqueue_dma source(%dma_start3A_210 : memref<1x64xf32, #tpu.memory_space<hbm>>) target(%dma_start3A_208 : memref<1x64xf32, #tpu.memory_space<vmem>>) target_semaphore(%arg12 : memref<!tpu.dma_semaphore, #tpu.memory_space<semaphore_mem>>)
      %slice3A_211 = vector.extract_strided_slice %get3A_73 {offsets = [10], sizes = [1], strides = [1]} : vector<16xi32> to vector<1xi32>
      %squeeze3A_212 = vector.extract %slice3A_211[0] : i32 from vector<1xi32>
      %mul3A_213 = arith.constant 16 : i32
      %mul3A_214 = arith.muli %scan3A_66, %mul3A_213 : i32
      %add3A_215 = arith.constant 10 : i32
      %add3A_216 = arith.addi %mul3A_214, %add3A_215 : i32
      %dma_start3A_217 = arith.constant 0 : i32
      %dma_start3A_218 = tpu.memref_slice %arg9[%add3A_216, %dma_start3A_217] : memref<256x64xf32, #tpu.memory_space<vmem>> -> memref<1x64xf32, #tpu.memory_space<vmem>>
      %dma_start3A_219 = arith.constant 0 : i32
      %dma_start3A_220 = tpu.memref_slice %arg4[%squeeze3A_212, %dma_start3A_219] : memref<1000001x64xf32, #tpu.memory_space<hbm>> -> memref<1x64xf32, #tpu.memory_space<hbm>>
      %dma_start3A_221 = arith.constant 0 : i32
      %dma_start3A_222 = tpu.memref_slice %arg9[%add3A_216, %dma_start3A_221] : memref<256x64xf32, #tpu.memory_space<vmem>> -> memref<1x64xf32, #tpu.memory_space<vmem>>
      %dma_start3A_223 = arith.constant 0 : i32
      %dma_start3A_224 = tpu.memref_slice %arg4[%squeeze3A_212, %dma_start3A_223] : memref<1000001x64xf32, #tpu.memory_space<hbm>> -> memref<1x64xf32, #tpu.memory_space<hbm>>
      tpu.enqueue_dma source(%dma_start3A_224 : memref<1x64xf32, #tpu.memory_space<hbm>>) target(%dma_start3A_222 : memref<1x64xf32, #tpu.memory_space<vmem>>) target_semaphore(%arg12 : memref<!tpu.dma_semaphore, #tpu.memory_space<semaphore_mem>>)
      %slice3A_225 = vector.extract_strided_slice %get3A_73 {offsets = [11], sizes = [1], strides = [1]} : vector<16xi32> to vector<1xi32>
      %squeeze3A_226 = vector.extract %slice3A_225[0] : i32 from vector<1xi32>
      %mul3A_227 = arith.constant 16 : i32
      %mul3A_228 = arith.muli %scan3A_66, %mul3A_227 : i32
      %add3A_229 = arith.constant 11 : i32
      %add3A_230 = arith.addi %mul3A_228, %add3A_229 : i32
      %dma_start3A_231 = arith.constant 0 : i32
      %dma_start3A_232 = tpu.memref_slice %arg9[%add3A_230, %dma_start3A_231] : memref<256x64xf32, #tpu.memory_space<vmem>> -> memref<1x64xf32, #tpu.memory_space<vmem>>
      %dma_start3A_233 = arith.constant 0 : i32
      %dma_start3A_234 = tpu.memref_slice %arg4[%squeeze3A_226, %dma_start3A_233] : memref<1000001x64xf32, #tpu.memory_space<hbm>> -> memref<1x64xf32, #tpu.memory_space<hbm>>
      %dma_start3A_235 = arith.constant 0 : i32
      %dma_start3A_236 = tpu.memref_slice %arg9[%add3A_230, %dma_start3A_235] : memref<256x64xf32, #tpu.memory_space<vmem>> -> memref<1x64xf32, #tpu.memory_space<vmem>>
      %dma_start3A_237 = arith.constant 0 : i32
      %dma_start3A_238 = tpu.memref_slice %arg4[%squeeze3A_226, %dma_start3A_237] : memref<1000001x64xf32, #tpu.memory_space<hbm>> -> memref<1x64xf32, #tpu.memory_space<hbm>>
      tpu.enqueue_dma source(%dma_start3A_238 : memref<1x64xf32, #tpu.memory_space<hbm>>) target(%dma_start3A_236 : memref<1x64xf32, #tpu.memory_space<vmem>>) target_semaphore(%arg12 : memref<!tpu.dma_semaphore, #tpu.memory_space<semaphore_mem>>)
      %slice3A_239 = vector.extract_strided_slice %get3A_73 {offsets = [12], sizes = [1], strides = [1]} : vector<16xi32> to vector<1xi32>
      %squeeze3A_240 = vector.extract %slice3A_239[0] : i32 from vector<1xi32>
      %mul3A_241 = arith.constant 16 : i32
      %mul3A_242 = arith.muli %scan3A_66, %mul3A_241 : i32
      %add3A_243 = arith.constant 12 : i32
      %add3A_244 = arith.addi %mul3A_242, %add3A_243 : i32
      %dma_start3A_245 = arith.constant 0 : i32
      %dma_start3A_246 = tpu.memref_slice %arg9[%add3A_244, %dma_start3A_245] : memref<256x64xf32, #tpu.memory_space<vmem>> -> memref<1x64xf32, #tpu.memory_space<vmem>>
      %dma_start3A_247 = arith.constant 0 : i32
      %dma_start3A_248 = tpu.memref_slice %arg4[%squeeze3A_240, %dma_start3A_247] : memref<1000001x64xf32, #tpu.memory_space<hbm>> -> memref<1x64xf32, #tpu.memory_space<hbm>>
      %dma_start3A_249 = arith.constant 0 : i32
      %dma_start3A_250 = tpu.memref_slice %arg9[%add3A_244, %dma_start3A_249] : memref<256x64xf32, #tpu.memory_space<vmem>> -> memref<1x64xf32, #tpu.memory_space<vmem>>
      %dma_start3A_251 = arith.constant 0 : i32
      %dma_start3A_252 = tpu.memref_slice %arg4[%squeeze3A_240, %dma_start3A_251] : memref<1000001x64xf32, #tpu.memory_space<hbm>> -> memref<1x64xf32, #tpu.memory_space<hbm>>
      tpu.enqueue_dma source(%dma_start3A_252 : memref<1x64xf32, #tpu.memory_space<hbm>>) target(%dma_start3A_250 : memref<1x64xf32, #tpu.memory_space<vmem>>) target_semaphore(%arg12 : memref<!tpu.dma_semaphore, #tpu.memory_space<semaphore_mem>>)
      %slice3A_253 = vector.extract_strided_slice %get3A_73 {offsets = [13], sizes = [1], strides = [1]} : vector<16xi32> to vector<1xi32>
      %squeeze3A_254 = vector.extract %slice3A_253[0] : i32 from vector<1xi32>
      %mul3A_255 = arith.constant 16 : i32
      %mul3A_256 = arith.muli %scan3A_66, %mul3A_255 : i32
      %add3A_257 = arith.constant 13 : i32
      %add3A_258 = arith.addi %mul3A_256, %add3A_257 : i32
      %dma_start3A_259 = arith.constant 0 : i32
      %dma_start3A_260 = tpu.memref_slice %arg9[%add3A_258, %dma_start3A_259] : memref<256x64xf32, #tpu.memory_space<vmem>> -> memref<1x64xf32, #tpu.memory_space<vmem>>
      %dma_start3A_261 = arith.constant 0 : i32
      %dma_start3A_262 = tpu.memref_slice %arg4[%squeeze3A_254, %dma_start3A_261] : memref<1000001x64xf32, #tpu.memory_space<hbm>> -> memref<1x64xf32, #tpu.memory_space<hbm>>
      %dma_start3A_263 = arith.constant 0 : i32
      %dma_start3A_264 = tpu.memref_slice %arg9[%add3A_258, %dma_start3A_263] : memref<256x64xf32, #tpu.memory_space<vmem>> -> memref<1x64xf32, #tpu.memory_space<vmem>>
      %dma_start3A_265 = arith.constant 0 : i32
      %dma_start3A_266 = tpu.memref_slice %arg4[%squeeze3A_254, %dma_start3A_265] : memref<1000001x64xf32, #tpu.memory_space<hbm>> -> memref<1x64xf32, #tpu.memory_space<hbm>>
      tpu.enqueue_dma source(%dma_start3A_266 : memref<1x64xf32, #tpu.memory_space<hbm>>) target(%dma_start3A_264 : memref<1x64xf32, #tpu.memory_space<vmem>>) target_semaphore(%arg12 : memref<!tpu.dma_semaphore, #tpu.memory_space<semaphore_mem>>)
      %slice3A_267 = vector.extract_strided_slice %get3A_73 {offsets = [14], sizes = [1], strides = [1]} : vector<16xi32> to vector<1xi32>
      %squeeze3A_268 = vector.extract %slice3A_267[0] : i32 from vector<1xi32>
      %mul3A_269 = arith.constant 16 : i32
      %mul3A_270 = arith.muli %scan3A_66, %mul3A_269 : i32
      %add3A_271 = arith.constant 14 : i32
      %add3A_272 = arith.addi %mul3A_270, %add3A_271 : i32
      %dma_start3A_273 = arith.constant 0 : i32
      %dma_start3A_274 = tpu.memref_slice %arg9[%add3A_272, %dma_start3A_273] : memref<256x64xf32, #tpu.memory_space<vmem>> -> memref<1x64xf32, #tpu.memory_space<vmem>>
      %dma_start3A_275 = arith.constant 0 : i32
      %dma_start3A_276 = tpu.memref_slice %arg4[%squeeze3A_268, %dma_start3A_275] : memref<1000001x64xf32, #tpu.memory_space<hbm>> -> memref<1x64xf32, #tpu.memory_space<hbm>>
      %dma_start3A_277 = arith.constant 0 : i32
      %dma_start3A_278 = tpu.memref_slice %arg9[%add3A_272, %dma_start3A_277] : memref<256x64xf32, #tpu.memory_space<vmem>> -> memref<1x64xf32, #tpu.memory_space<vmem>>
      %dma_start3A_279 = arith.constant 0 : i32
      %dma_start3A_280 = tpu.memref_slice %arg4[%squeeze3A_268, %dma_start3A_279] : memref<1000001x64xf32, #tpu.memory_space<hbm>> -> memref<1x64xf32, #tpu.memory_space<hbm>>
      tpu.enqueue_dma source(%dma_start3A_280 : memref<1x64xf32, #tpu.memory_space<hbm>>) target(%dma_start3A_278 : memref<1x64xf32, #tpu.memory_space<vmem>>) target_semaphore(%arg12 : memref<!tpu.dma_semaphore, #tpu.memory_space<semaphore_mem>>)
      %slice3A_281 = vector.extract_strided_slice %get3A_73 {offsets = [15], sizes = [1], strides = [1]} : vector<16xi32> to vector<1xi32>
      %squeeze3A_282 = vector.extract %slice3A_281[0] : i32 from vector<1xi32>
      %mul3A_283 = arith.constant 16 : i32
      %mul3A_284 = arith.muli %scan3A_66, %mul3A_283 : i32
      %add3A_285 = arith.constant 15 : i32
      %add3A_286 = arith.addi %mul3A_284, %add3A_285 : i32
      %dma_start3A_287 = arith.constant 0 : i32
      %dma_start3A_288 = tpu.memref_slice %arg9[%add3A_286, %dma_start3A_287] : memref<256x64xf32, #tpu.memory_space<vmem>> -> memref<1x64xf32, #tpu.memory_space<vmem>>
      %dma_start3A_289 = arith.constant 0 : i32
      %dma_start3A_290 = tpu.memref_slice %arg4[%squeeze3A_282, %dma_start3A_289] : memref<1000001x64xf32, #tpu.memory_space<hbm>> -> memref<1x64xf32, #tpu.memory_space<hbm>>
      %dma_start3A_291 = arith.constant 0 : i32
      %dma_start3A_292 = tpu.memref_slice %arg9[%add3A_286, %dma_start3A_291] : memref<256x64xf32, #tpu.memory_space<vmem>> -> memref<1x64xf32, #tpu.memory_space<vmem>>
      %dma_start3A_293 = arith.constant 0 : i32
      %dma_start3A_294 = tpu.memref_slice %arg4[%squeeze3A_282, %dma_start3A_293] : memref<1000001x64xf32, #tpu.memory_space<hbm>> -> memref<1x64xf32, #tpu.memory_space<hbm>>
      tpu.enqueue_dma source(%dma_start3A_294 : memref<1x64xf32, #tpu.memory_space<hbm>>) target(%dma_start3A_292 : memref<1x64xf32, #tpu.memory_space<vmem>>) target_semaphore(%arg12 : memref<!tpu.dma_semaphore, #tpu.memory_space<semaphore_mem>>)
      %scan3A_295 = arith.constant 0 : i32
      scf.yield %scan3A_295 : i32
    }
    %scan3A_8 = arith.constant 16 : i32
    %scan3A_9 = arith.constant 0 : i32
    %scan3A_10 = arith.constant 0 : i32
    %scan3A_11 = arith.constant 16 : i32
    %scan3A_12 = arith.addi %scan3A_10, %scan3A_11 : i32
    %scan3A_13 = arith.constant 1 : i32
    %scan3A_14 = scf.for %scan3A_66 = %scan3A_10 to %scan3A_12 step %scan3A_13 iter_args(%scan3A_67 = %scan3A_9) -> (i32)  : i32 {
      %mul3A_68 = arith.constant 16 : i32
      %mul3A_69 = arith.muli %scan3A_66, %mul3A_68 : i32
      %add3A_70 = arith.constant 0 : i32
      %add3A_71 = arith.addi %add3A_70, %mul3A_69 : i32
      %get3A = arith.index_cast %add3A_71 : i32 to index
      %get3A_72 = tpu.vector_load %arg10[%get3A] {strides = array<i32>} : memref<512xi32, #tpu.memory_space<vmem>>, vector<16xi32>,
      %get3A_73 = vector.shape_cast %get3A_72 : vector<16xi32> to vector<16xi32>
      %slice3A = vector.extract_strided_slice %get3A_73 {offsets = [0], sizes = [1], strides = [1]} : vector<16xi32> to vector<1xi32>
      %squeeze3A = vector.extract %slice3A[0] : i32 from vector<1xi32>
      %mul3A_74 = arith.constant 16 : i32
      %mul3A_75 = arith.muli %scan3A_66, %mul3A_74 : i32
      %add3A_76 = arith.constant 0 : i32
      %add3A_77 = arith.addi %mul3A_75, %add3A_76 : i32
      %dma_start3A = arith.constant 0 : i32
      %dma_start3A_78 = tpu.memref_slice %arg11[%add3A_77, %dma_start3A] : memref<256x64xf32, #tpu.memory_space<vmem>> -> memref<1x64xf32, #tpu.memory_space<vmem>>
      %dma_start3A_79 = arith.constant 0 : i32
      %dma_start3A_80 = tpu.memref_slice %arg5[%squeeze3A, %dma_start3A_79] : memref<1000000x64xf32, #tpu.memory_space<hbm>> -> memref<1x64xf32, #tpu.memory_space<hbm>>
      %dma_start3A_81 = arith.constant 0 : i32
      %dma_start3A_82 = tpu.memref_slice %arg11[%add3A_77, %dma_start3A_81] : memref<256x64xf32, #tpu.memory_space<vmem>> -> memref<1x64xf32, #tpu.memory_space<vmem>>
      %dma_start3A_83 = arith.constant 0 : i32
      %dma_start3A_84 = tpu.memref_slice %arg5[%squeeze3A, %dma_start3A_83] : memref<1000000x64xf32, #tpu.memory_space<hbm>> -> memref<1x64xf32, #tpu.memory_space<hbm>>
      tpu.enqueue_dma source(%dma_start3A_84 : memref<1x64xf32, #tpu.memory_space<hbm>>) target(%dma_start3A_82 : memref<1x64xf32, #tpu.memory_space<vmem>>) target_semaphore(%arg13 : memref<!tpu.dma_semaphore, #tpu.memory_space<semaphore_mem>>)
      %slice3A_85 = vector.extract_strided_slice %get3A_73 {offsets = [1], sizes = [1], strides = [1]} : vector<16xi32> to vector<1xi32>
      %squeeze3A_86 = vector.extract %slice3A_85[0] : i32 from vector<1xi32>
      %mul3A_87 = arith.constant 16 : i32
      %mul3A_88 = arith.muli %scan3A_66, %mul3A_87 : i32
      %add3A_89 = arith.constant 1 : i32
      %add3A_90 = arith.addi %mul3A_88, %add3A_89 : i32
      %dma_start3A_91 = arith.constant 0 : i32
      %dma_start3A_92 = tpu.memref_slice %arg11[%add3A_90, %dma_start3A_91] : memref<256x64xf32, #tpu.memory_space<vmem>> -> memref<1x64xf32, #tpu.memory_space<vmem>>
      %dma_start3A_93 = arith.constant 0 : i32
      %dma_start3A_94 = tpu.memref_slice %arg5[%squeeze3A_86, %dma_start3A_93] : memref<1000000x64xf32, #tpu.memory_space<hbm>> -> memref<1x64xf32, #tpu.memory_space<hbm>>
      %dma_start3A_95 = arith.constant 0 : i32
      %dma_start3A_96 = tpu.memref_slice %arg11[%add3A_90, %dma_start3A_95] : memref<256x64xf32, #tpu.memory_space<vmem>> -> memref<1x64xf32, #tpu.memory_space<vmem>>
      %dma_start3A_97 = arith.constant 0 : i32
      %dma_start3A_98 = tpu.memref_slice %arg5[%squeeze3A_86, %dma_start3A_97] : memref<1000000x64xf32, #tpu.memory_space<hbm>> -> memref<1x64xf32, #tpu.memory_space<hbm>>
      tpu.enqueue_dma source(%dma_start3A_98 : memref<1x64xf32, #tpu.memory_space<hbm>>) target(%dma_start3A_96 : memref<1x64xf32, #tpu.memory_space<vmem>>) target_semaphore(%arg13 : memref<!tpu.dma_semaphore, #tpu.memory_space<semaphore_mem>>)
      %slice3A_99 = vector.extract_strided_slice %get3A_73 {offsets = [2], sizes = [1], strides = [1]} : vector<16xi32> to vector<1xi32>
      %squeeze3A_100 = vector.extract %slice3A_99[0] : i32 from vector<1xi32>
      %mul3A_101 = arith.constant 16 : i32
      %mul3A_102 = arith.muli %scan3A_66, %mul3A_101 : i32
      %add3A_103 = arith.constant 2 : i32
      %add3A_104 = arith.addi %mul3A_102, %add3A_103 : i32
      %dma_start3A_105 = arith.constant 0 : i32
      %dma_start3A_106 = tpu.memref_slice %arg11[%add3A_104, %dma_start3A_105] : memref<256x64xf32, #tpu.memory_space<vmem>> -> memref<1x64xf32, #tpu.memory_space<vmem>>
      %dma_start3A_107 = arith.constant 0 : i32
      %dma_start3A_108 = tpu.memref_slice %arg5[%squeeze3A_100, %dma_start3A_107] : memref<1000000x64xf32, #tpu.memory_space<hbm>> -> memref<1x64xf32, #tpu.memory_space<hbm>>
      %dma_start3A_109 = arith.constant 0 : i32
      %dma_start3A_110 = tpu.memref_slice %arg11[%add3A_104, %dma_start3A_109] : memref<256x64xf32, #tpu.memory_space<vmem>> -> memref<1x64xf32, #tpu.memory_space<vmem>>
      %dma_start3A_111 = arith.constant 0 : i32
      %dma_start3A_112 = tpu.memref_slice %arg5[%squeeze3A_100, %dma_start3A_111] : memref<1000000x64xf32, #tpu.memory_space<hbm>> -> memref<1x64xf32, #tpu.memory_space<hbm>>
      tpu.enqueue_dma source(%dma_start3A_112 : memref<1x64xf32, #tpu.memory_space<hbm>>) target(%dma_start3A_110 : memref<1x64xf32, #tpu.memory_space<vmem>>) target_semaphore(%arg13 : memref<!tpu.dma_semaphore, #tpu.memory_space<semaphore_mem>>)
      %slice3A_113 = vector.extract_strided_slice %get3A_73 {offsets = [3], sizes = [1], strides = [1]} : vector<16xi32> to vector<1xi32>
      %squeeze3A_114 = vector.extract %slice3A_113[0] : i32 from vector<1xi32>
      %mul3A_115 = arith.constant 16 : i32
      %mul3A_116 = arith.muli %scan3A_66, %mul3A_115 : i32
      %add3A_117 = arith.constant 3 : i32
      %add3A_118 = arith.addi %mul3A_116, %add3A_117 : i32
      %dma_start3A_119 = arith.constant 0 : i32
      %dma_start3A_120 = tpu.memref_slice %arg11[%add3A_118, %dma_start3A_119] : memref<256x64xf32, #tpu.memory_space<vmem>> -> memref<1x64xf32, #tpu.memory_space<vmem>>
      %dma_start3A_121 = arith.constant 0 : i32
      %dma_start3A_122 = tpu.memref_slice %arg5[%squeeze3A_114, %dma_start3A_121] : memref<1000000x64xf32, #tpu.memory_space<hbm>> -> memref<1x64xf32, #tpu.memory_space<hbm>>
      %dma_start3A_123 = arith.constant 0 : i32
      %dma_start3A_124 = tpu.memref_slice %arg11[%add3A_118, %dma_start3A_123] : memref<256x64xf32, #tpu.memory_space<vmem>> -> memref<1x64xf32, #tpu.memory_space<vmem>>
      %dma_start3A_125 = arith.constant 0 : i32
      %dma_start3A_126 = tpu.memref_slice %arg5[%squeeze3A_114, %dma_start3A_125] : memref<1000000x64xf32, #tpu.memory_space<hbm>> -> memref<1x64xf32, #tpu.memory_space<hbm>>
      tpu.enqueue_dma source(%dma_start3A_126 : memref<1x64xf32, #tpu.memory_space<hbm>>) target(%dma_start3A_124 : memref<1x64xf32, #tpu.memory_space<vmem>>) target_semaphore(%arg13 : memref<!tpu.dma_semaphore, #tpu.memory_space<semaphore_mem>>)
      %slice3A_127 = vector.extract_strided_slice %get3A_73 {offsets = [4], sizes = [1], strides = [1]} : vector<16xi32> to vector<1xi32>
      %squeeze3A_128 = vector.extract %slice3A_127[0] : i32 from vector<1xi32>
      %mul3A_129 = arith.constant 16 : i32
      %mul3A_130 = arith.muli %scan3A_66, %mul3A_129 : i32
      %add3A_131 = arith.constant 4 : i32
      %add3A_132 = arith.addi %mul3A_130, %add3A_131 : i32
      %dma_start3A_133 = arith.constant 0 : i32
      %dma_start3A_134 = tpu.memref_slice %arg11[%add3A_132, %dma_start3A_133] : memref<256x64xf32, #tpu.memory_space<vmem>> -> memref<1x64xf32, #tpu.memory_space<vmem>>
      %dma_start3A_135 = arith.constant 0 : i32
      %dma_start3A_136 = tpu.memref_slice %arg5[%squeeze3A_128, %dma_start3A_135] : memref<1000000x64xf32, #tpu.memory_space<hbm>> -> memref<1x64xf32, #tpu.memory_space<hbm>>
      %dma_start3A_137 = arith.constant 0 : i32
      %dma_start3A_138 = tpu.memref_slice %arg11[%add3A_132, %dma_start3A_137] : memref<256x64xf32, #tpu.memory_space<vmem>> -> memref<1x64xf32, #tpu.memory_space<vmem>>
      %dma_start3A_139 = arith.constant 0 : i32
      %dma_start3A_140 = tpu.memref_slice %arg5[%squeeze3A_128, %dma_start3A_139] : memref<1000000x64xf32, #tpu.memory_space<hbm>> -> memref<1x64xf32, #tpu.memory_space<hbm>>
      tpu.enqueue_dma source(%dma_start3A_140 : memref<1x64xf32, #tpu.memory_space<hbm>>) target(%dma_start3A_138 : memref<1x64xf32, #tpu.memory_space<vmem>>) target_semaphore(%arg13 : memref<!tpu.dma_semaphore, #tpu.memory_space<semaphore_mem>>)
      %slice3A_141 = vector.extract_strided_slice %get3A_73 {offsets = [5], sizes = [1], strides = [1]} : vector<16xi32> to vector<1xi32>
      %squeeze3A_142 = vector.extract %slice3A_141[0] : i32 from vector<1xi32>
      %mul3A_143 = arith.constant 16 : i32
      %mul3A_144 = arith.muli %scan3A_66, %mul3A_143 : i32
      %add3A_145 = arith.constant 5 : i32
      %add3A_146 = arith.addi %mul3A_144, %add3A_145 : i32
      %dma_start3A_147 = arith.constant 0 : i32
      %dma_start3A_148 = tpu.memref_slice %arg11[%add3A_146, %dma_start3A_147] : memref<256x64xf32, #tpu.memory_space<vmem>> -> memref<1x64xf32, #tpu.memory_space<vmem>>
      %dma_start3A_149 = arith.constant 0 : i32
      %dma_start3A_150 = tpu.memref_slice %arg5[%squeeze3A_142, %dma_start3A_149] : memref<1000000x64xf32, #tpu.memory_space<hbm>> -> memref<1x64xf32, #tpu.memory_space<hbm>>
      %dma_start3A_151 = arith.constant 0 : i32
      %dma_start3A_152 = tpu.memref_slice %arg11[%add3A_146, %dma_start3A_151] : memref<256x64xf32, #tpu.memory_space<vmem>> -> memref<1x64xf32, #tpu.memory_space<vmem>>
      %dma_start3A_153 = arith.constant 0 : i32
      %dma_start3A_154 = tpu.memref_slice %arg5[%squeeze3A_142, %dma_start3A_153] : memref<1000000x64xf32, #tpu.memory_space<hbm>> -> memref<1x64xf32, #tpu.memory_space<hbm>>
      tpu.enqueue_dma source(%dma_start3A_154 : memref<1x64xf32, #tpu.memory_space<hbm>>) target(%dma_start3A_152 : memref<1x64xf32, #tpu.memory_space<vmem>>) target_semaphore(%arg13 : memref<!tpu.dma_semaphore, #tpu.memory_space<semaphore_mem>>)
      %slice3A_155 = vector.extract_strided_slice %get3A_73 {offsets = [6], sizes = [1], strides = [1]} : vector<16xi32> to vector<1xi32>
      %squeeze3A_156 = vector.extract %slice3A_155[0] : i32 from vector<1xi32>
      %mul3A_157 = arith.constant 16 : i32
      %mul3A_158 = arith.muli %scan3A_66, %mul3A_157 : i32
      %add3A_159 = arith.constant 6 : i32
      %add3A_160 = arith.addi %mul3A_158, %add3A_159 : i32
      %dma_start3A_161 = arith.constant 0 : i32
      %dma_start3A_162 = tpu.memref_slice %arg11[%add3A_160, %dma_start3A_161] : memref<256x64xf32, #tpu.memory_space<vmem>> -> memref<1x64xf32, #tpu.memory_space<vmem>>
      %dma_start3A_163 = arith.constant 0 : i32
      %dma_start3A_164 = tpu.memref_slice %arg5[%squeeze3A_156, %dma_start3A_163] : memref<1000000x64xf32, #tpu.memory_space<hbm>> -> memref<1x64xf32, #tpu.memory_space<hbm>>
      %dma_start3A_165 = arith.constant 0 : i32
      %dma_start3A_166 = tpu.memref_slice %arg11[%add3A_160, %dma_start3A_165] : memref<256x64xf32, #tpu.memory_space<vmem>> -> memref<1x64xf32, #tpu.memory_space<vmem>>
      %dma_start3A_167 = arith.constant 0 : i32
      %dma_start3A_168 = tpu.memref_slice %arg5[%squeeze3A_156, %dma_start3A_167] : memref<1000000x64xf32, #tpu.memory_space<hbm>> -> memref<1x64xf32, #tpu.memory_space<hbm>>
      tpu.enqueue_dma source(%dma_start3A_168 : memref<1x64xf32, #tpu.memory_space<hbm>>) target(%dma_start3A_166 : memref<1x64xf32, #tpu.memory_space<vmem>>) target_semaphore(%arg13 : memref<!tpu.dma_semaphore, #tpu.memory_space<semaphore_mem>>)
      %slice3A_169 = vector.extract_strided_slice %get3A_73 {offsets = [7], sizes = [1], strides = [1]} : vector<16xi32> to vector<1xi32>
      %squeeze3A_170 = vector.extract %slice3A_169[0] : i32 from vector<1xi32>
      %mul3A_171 = arith.constant 16 : i32
      %mul3A_172 = arith.muli %scan3A_66, %mul3A_171 : i32
      %add3A_173 = arith.constant 7 : i32
      %add3A_174 = arith.addi %mul3A_172, %add3A_173 : i32
      %dma_start3A_175 = arith.constant 0 : i32
      %dma_start3A_176 = tpu.memref_slice %arg11[%add3A_174, %dma_start3A_175] : memref<256x64xf32, #tpu.memory_space<vmem>> -> memref<1x64xf32, #tpu.memory_space<vmem>>
      %dma_start3A_177 = arith.constant 0 : i32
      %dma_start3A_178 = tpu.memref_slice %arg5[%squeeze3A_170, %dma_start3A_177] : memref<1000000x64xf32, #tpu.memory_space<hbm>> -> memref<1x64xf32, #tpu.memory_space<hbm>>
      %dma_start3A_179 = arith.constant 0 : i32
      %dma_start3A_180 = tpu.memref_slice %arg11[%add3A_174, %dma_start3A_179] : memref<256x64xf32, #tpu.memory_space<vmem>> -> memref<1x64xf32, #tpu.memory_space<vmem>>
      %dma_start3A_181 = arith.constant 0 : i32
      %dma_start3A_182 = tpu.memref_slice %arg5[%squeeze3A_170, %dma_start3A_181] : memref<1000000x64xf32, #tpu.memory_space<hbm>> -> memref<1x64xf32, #tpu.memory_space<hbm>>
      tpu.enqueue_dma source(%dma_start3A_182 : memref<1x64xf32, #tpu.memory_space<hbm>>) target(%dma_start3A_180 : memref<1x64xf32, #tpu.memory_space<vmem>>) target_semaphore(%arg13 : memref<!tpu.dma_semaphore, #tpu.memory_space<semaphore_mem>>)
      %slice3A_183 = vector.extract_strided_slice %get3A_73 {offsets = [8], sizes = [1], strides = [1]} : vector<16xi32> to vector<1xi32>
      %squeeze3A_184 = vector.extract %slice3A_183[0] : i32 from vector<1xi32>
      %mul3A_185 = arith.constant 16 : i32
      %mul3A_186 = arith.muli %scan3A_66, %mul3A_185 : i32
      %add3A_187 = arith.constant 8 : i32
      %add3A_188 = arith.addi %mul3A_186, %add3A_187 : i32
      %dma_start3A_189 = arith.constant 0 : i32
      %dma_start3A_190 = tpu.memref_slice %arg11[%add3A_188, %dma_start3A_189] : memref<256x64xf32, #tpu.memory_space<vmem>> -> memref<1x64xf32, #tpu.memory_space<vmem>>
      %dma_start3A_191 = arith.constant 0 : i32
      %dma_start3A_192 = tpu.memref_slice %arg5[%squeeze3A_184, %dma_start3A_191] : memref<1000000x64xf32, #tpu.memory_space<hbm>> -> memref<1x64xf32, #tpu.memory_space<hbm>>
      %dma_start3A_193 = arith.constant 0 : i32
      %dma_start3A_194 = tpu.memref_slice %arg11[%add3A_188, %dma_start3A_193] : memref<256x64xf32, #tpu.memory_space<vmem>> -> memref<1x64xf32, #tpu.memory_space<vmem>>
      %dma_start3A_195 = arith.constant 0 : i32
      %dma_start3A_196 = tpu.memref_slice %arg5[%squeeze3A_184, %dma_start3A_195] : memref<1000000x64xf32, #tpu.memory_space<hbm>> -> memref<1x64xf32, #tpu.memory_space<hbm>>
      tpu.enqueue_dma source(%dma_start3A_196 : memref<1x64xf32, #tpu.memory_space<hbm>>) target(%dma_start3A_194 : memref<1x64xf32, #tpu.memory_space<vmem>>) target_semaphore(%arg13 : memref<!tpu.dma_semaphore, #tpu.memory_space<semaphore_mem>>)
      %slice3A_197 = vector.extract_strided_slice %get3A_73 {offsets = [9], sizes = [1], strides = [1]} : vector<16xi32> to vector<1xi32>
      %squeeze3A_198 = vector.extract %slice3A_197[0] : i32 from vector<1xi32>
      %mul3A_199 = arith.constant 16 : i32
      %mul3A_200 = arith.muli %scan3A_66, %mul3A_199 : i32
      %add3A_201 = arith.constant 9 : i32
      %add3A_202 = arith.addi %mul3A_200, %add3A_201 : i32
      %dma_start3A_203 = arith.constant 0 : i32
      %dma_start3A_204 = tpu.memref_slice %arg11[%add3A_202, %dma_start3A_203] : memref<256x64xf32, #tpu.memory_space<vmem>> -> memref<1x64xf32, #tpu.memory_space<vmem>>
      %dma_start3A_205 = arith.constant 0 : i32
      %dma_start3A_206 = tpu.memref_slice %arg5[%squeeze3A_198, %dma_start3A_205] : memref<1000000x64xf32, #tpu.memory_space<hbm>> -> memref<1x64xf32, #tpu.memory_space<hbm>>
      %dma_start3A_207 = arith.constant 0 : i32
      %dma_start3A_208 = tpu.memref_slice %arg11[%add3A_202, %dma_start3A_207] : memref<256x64xf32, #tpu.memory_space<vmem>> -> memref<1x64xf32, #tpu.memory_space<vmem>>
      %dma_start3A_209 = arith.constant 0 : i32
      %dma_start3A_210 = tpu.memref_slice %arg5[%squeeze3A_198, %dma_start3A_209] : memref<1000000x64xf32, #tpu.memory_space<hbm>> -> memref<1x64xf32, #tpu.memory_space<hbm>>
      tpu.enqueue_dma source(%dma_start3A_210 : memref<1x64xf32, #tpu.memory_space<hbm>>) target(%dma_start3A_208 : memref<1x64xf32, #tpu.memory_space<vmem>>) target_semaphore(%arg13 : memref<!tpu.dma_semaphore, #tpu.memory_space<semaphore_mem>>)
      %slice3A_211 = vector.extract_strided_slice %get3A_73 {offsets = [10], sizes = [1], strides = [1]} : vector<16xi32> to vector<1xi32>
      %squeeze3A_212 = vector.extract %slice3A_211[0] : i32 from vector<1xi32>
      %mul3A_213 = arith.constant 16 : i32
      %mul3A_214 = arith.muli %scan3A_66, %mul3A_213 : i32
      %add3A_215 = arith.constant 10 : i32
      %add3A_216 = arith.addi %mul3A_214, %add3A_215 : i32
      %dma_start3A_217 = arith.constant 0 : i32
      %dma_start3A_218 = tpu.memref_slice %arg11[%add3A_216, %dma_start3A_217] : memref<256x64xf32, #tpu.memory_space<vmem>> -> memref<1x64xf32, #tpu.memory_space<vmem>>
      %dma_start3A_219 = arith.constant 0 : i32
      %dma_start3A_220 = tpu.memref_slice %arg5[%squeeze3A_212, %dma_start3A_219] : memref<1000000x64xf32, #tpu.memory_space<hbm>> -> memref<1x64xf32, #tpu.memory_space<hbm>>
      %dma_start3A_221 = arith.constant 0 : i32
      %dma_start3A_222 = tpu.memref_slice %arg11[%add3A_216, %dma_start3A_221] : memref<256x64xf32, #tpu.memory_space<vmem>> -> memref<1x64xf32, #tpu.memory_space<vmem>>
      %dma_start3A_223 = arith.constant 0 : i32
      %dma_start3A_224 = tpu.memref_slice %arg5[%squeeze3A_212, %dma_start3A_223] : memref<1000000x64xf32, #tpu.memory_space<hbm>> -> memref<1x64xf32, #tpu.memory_space<hbm>>
      tpu.enqueue_dma source(%dma_start3A_224 : memref<1x64xf32, #tpu.memory_space<hbm>>) target(%dma_start3A_222 : memref<1x64xf32, #tpu.memory_space<vmem>>) target_semaphore(%arg13 : memref<!tpu.dma_semaphore, #tpu.memory_space<semaphore_mem>>)
      %slice3A_225 = vector.extract_strided_slice %get3A_73 {offsets = [11], sizes = [1], strides = [1]} : vector<16xi32> to vector<1xi32>
      %squeeze3A_226 = vector.extract %slice3A_225[0] : i32 from vector<1xi32>
      %mul3A_227 = arith.constant 16 : i32
      %mul3A_228 = arith.muli %scan3A_66, %mul3A_227 : i32
      %add3A_229 = arith.constant 11 : i32
      %add3A_230 = arith.addi %mul3A_228, %add3A_229 : i32
      %dma_start3A_231 = arith.constant 0 : i32
      %dma_start3A_232 = tpu.memref_slice %arg11[%add3A_230, %dma_start3A_231] : memref<256x64xf32, #tpu.memory_space<vmem>> -> memref<1x64xf32, #tpu.memory_space<vmem>>
      %dma_start3A_233 = arith.constant 0 : i32
      %dma_start3A_234 = tpu.memref_slice %arg5[%squeeze3A_226, %dma_start3A_233] : memref<1000000x64xf32, #tpu.memory_space<hbm>> -> memref<1x64xf32, #tpu.memory_space<hbm>>
      %dma_start3A_235 = arith.constant 0 : i32
      %dma_start3A_236 = tpu.memref_slice %arg11[%add3A_230, %dma_start3A_235] : memref<256x64xf32, #tpu.memory_space<vmem>> -> memref<1x64xf32, #tpu.memory_space<vmem>>
      %dma_start3A_237 = arith.constant 0 : i32
      %dma_start3A_238 = tpu.memref_slice %arg5[%squeeze3A_226, %dma_start3A_237] : memref<1000000x64xf32, #tpu.memory_space<hbm>> -> memref<1x64xf32, #tpu.memory_space<hbm>>
      tpu.enqueue_dma source(%dma_start3A_238 : memref<1x64xf32, #tpu.memory_space<hbm>>) target(%dma_start3A_236 : memref<1x64xf32, #tpu.memory_space<vmem>>) target_semaphore(%arg13 : memref<!tpu.dma_semaphore, #tpu.memory_space<semaphore_mem>>)
      %slice3A_239 = vector.extract_strided_slice %get3A_73 {offsets = [12], sizes = [1], strides = [1]} : vector<16xi32> to vector<1xi32>
      %squeeze3A_240 = vector.extract %slice3A_239[0] : i32 from vector<1xi32>
      %mul3A_241 = arith.constant 16 : i32
      %mul3A_242 = arith.muli %scan3A_66, %mul3A_241 : i32
      %add3A_243 = arith.constant 12 : i32
      %add3A_244 = arith.addi %mul3A_242, %add3A_243 : i32
      %dma_start3A_245 = arith.constant 0 : i32
      %dma_start3A_246 = tpu.memref_slice %arg11[%add3A_244, %dma_start3A_245] : memref<256x64xf32, #tpu.memory_space<vmem>> -> memref<1x64xf32, #tpu.memory_space<vmem>>
      %dma_start3A_247 = arith.constant 0 : i32
      %dma_start3A_248 = tpu.memref_slice %arg5[%squeeze3A_240, %dma_start3A_247] : memref<1000000x64xf32, #tpu.memory_space<hbm>> -> memref<1x64xf32, #tpu.memory_space<hbm>>
      %dma_start3A_249 = arith.constant 0 : i32
      %dma_start3A_250 = tpu.memref_slice %arg11[%add3A_244, %dma_start3A_249] : memref<256x64xf32, #tpu.memory_space<vmem>> -> memref<1x64xf32, #tpu.memory_space<vmem>>
      %dma_start3A_251 = arith.constant 0 : i32
      %dma_start3A_252 = tpu.memref_slice %arg5[%squeeze3A_240, %dma_start3A_251] : memref<1000000x64xf32, #tpu.memory_space<hbm>> -> memref<1x64xf32, #tpu.memory_space<hbm>>
      tpu.enqueue_dma source(%dma_start3A_252 : memref<1x64xf32, #tpu.memory_space<hbm>>) target(%dma_start3A_250 : memref<1x64xf32, #tpu.memory_space<vmem>>) target_semaphore(%arg13 : memref<!tpu.dma_semaphore, #tpu.memory_space<semaphore_mem>>)
      %slice3A_253 = vector.extract_strided_slice %get3A_73 {offsets = [13], sizes = [1], strides = [1]} : vector<16xi32> to vector<1xi32>
      %squeeze3A_254 = vector.extract %slice3A_253[0] : i32 from vector<1xi32>
      %mul3A_255 = arith.constant 16 : i32
      %mul3A_256 = arith.muli %scan3A_66, %mul3A_255 : i32
      %add3A_257 = arith.constant 13 : i32
      %add3A_258 = arith.addi %mul3A_256, %add3A_257 : i32
      %dma_start3A_259 = arith.constant 0 : i32
      %dma_start3A_260 = tpu.memref_slice %arg11[%add3A_258, %dma_start3A_259] : memref<256x64xf32, #tpu.memory_space<vmem>> -> memref<1x64xf32, #tpu.memory_space<vmem>>
      %dma_start3A_261 = arith.constant 0 : i32
      %dma_start3A_262 = tpu.memref_slice %arg5[%squeeze3A_254, %dma_start3A_261] : memref<1000000x64xf32, #tpu.memory_space<hbm>> -> memref<1x64xf32, #tpu.memory_space<hbm>>
      %dma_start3A_263 = arith.constant 0 : i32
      %dma_start3A_264 = tpu.memref_slice %arg11[%add3A_258, %dma_start3A_263] : memref<256x64xf32, #tpu.memory_space<vmem>> -> memref<1x64xf32, #tpu.memory_space<vmem>>
      %dma_start3A_265 = arith.constant 0 : i32
      %dma_start3A_266 = tpu.memref_slice %arg5[%squeeze3A_254, %dma_start3A_265] : memref<1000000x64xf32, #tpu.memory_space<hbm>> -> memref<1x64xf32, #tpu.memory_space<hbm>>
      tpu.enqueue_dma source(%dma_start3A_266 : memref<1x64xf32, #tpu.memory_space<hbm>>) target(%dma_start3A_264 : memref<1x64xf32, #tpu.memory_space<vmem>>) target_semaphore(%arg13 : memref<!tpu.dma_semaphore, #tpu.memory_space<semaphore_mem>>)
      %slice3A_267 = vector.extract_strided_slice %get3A_73 {offsets = [14], sizes = [1], strides = [1]} : vector<16xi32> to vector<1xi32>
      %squeeze3A_268 = vector.extract %slice3A_267[0] : i32 from vector<1xi32>
      %mul3A_269 = arith.constant 16 : i32
      %mul3A_270 = arith.muli %scan3A_66, %mul3A_269 : i32
      %add3A_271 = arith.constant 14 : i32
      %add3A_272 = arith.addi %mul3A_270, %add3A_271 : i32
      %dma_start3A_273 = arith.constant 0 : i32
      %dma_start3A_274 = tpu.memref_slice %arg11[%add3A_272, %dma_start3A_273] : memref<256x64xf32, #tpu.memory_space<vmem>> -> memref<1x64xf32, #tpu.memory_space<vmem>>
      %dma_start3A_275 = arith.constant 0 : i32
      %dma_start3A_276 = tpu.memref_slice %arg5[%squeeze3A_268, %dma_start3A_275] : memref<1000000x64xf32, #tpu.memory_space<hbm>> -> memref<1x64xf32, #tpu.memory_space<hbm>>
      %dma_start3A_277 = arith.constant 0 : i32
      %dma_start3A_278 = tpu.memref_slice %arg11[%add3A_272, %dma_start3A_277] : memref<256x64xf32, #tpu.memory_space<vmem>> -> memref<1x64xf32, #tpu.memory_space<vmem>>
      %dma_start3A_279 = arith.constant 0 : i32
      %dma_start3A_280 = tpu.memref_slice %arg5[%squeeze3A_268, %dma_start3A_279] : memref<1000000x64xf32, #tpu.memory_space<hbm>> -> memref<1x64xf32, #tpu.memory_space<hbm>>
      tpu.enqueue_dma source(%dma_start3A_280 : memref<1x64xf32, #tpu.memory_space<hbm>>) target(%dma_start3A_278 : memref<1x64xf32, #tpu.memory_space<vmem>>) target_semaphore(%arg13 : memref<!tpu.dma_semaphore, #tpu.memory_space<semaphore_mem>>)
      %slice3A_281 = vector.extract_strided_slice %get3A_73 {offsets = [15], sizes = [1], strides = [1]} : vector<16xi32> to vector<1xi32>
      %squeeze3A_282 = vector.extract %slice3A_281[0] : i32 from vector<1xi32>
      %mul3A_283 = arith.constant 16 : i32
      %mul3A_284 = arith.muli %scan3A_66, %mul3A_283 : i32
      %add3A_285 = arith.constant 15 : i32
      %add3A_286 = arith.addi %mul3A_284, %add3A_285 : i32
      %dma_start3A_287 = arith.constant 0 : i32
      %dma_start3A_288 = tpu.memref_slice %arg11[%add3A_286, %dma_start3A_287] : memref<256x64xf32, #tpu.memory_space<vmem>> -> memref<1x64xf32, #tpu.memory_space<vmem>>
      %dma_start3A_289 = arith.constant 0 : i32
      %dma_start3A_290 = tpu.memref_slice %arg5[%squeeze3A_282, %dma_start3A_289] : memref<1000000x64xf32, #tpu.memory_space<hbm>> -> memref<1x64xf32, #tpu.memory_space<hbm>>
      %dma_start3A_291 = arith.constant 0 : i32
      %dma_start3A_292 = tpu.memref_slice %arg11[%add3A_286, %dma_start3A_291] : memref<256x64xf32, #tpu.memory_space<vmem>> -> memref<1x64xf32, #tpu.memory_space<vmem>>
      %dma_start3A_293 = arith.constant 0 : i32
      %dma_start3A_294 = tpu.memref_slice %arg5[%squeeze3A_282, %dma_start3A_293] : memref<1000000x64xf32, #tpu.memory_space<hbm>> -> memref<1x64xf32, #tpu.memory_space<hbm>>
      tpu.enqueue_dma source(%dma_start3A_294 : memref<1x64xf32, #tpu.memory_space<hbm>>) target(%dma_start3A_292 : memref<1x64xf32, #tpu.memory_space<vmem>>) target_semaphore(%arg13 : memref<!tpu.dma_semaphore, #tpu.memory_space<semaphore_mem>>)
      %scan3A_295 = arith.constant 0 : i32
      scf.yield %scan3A_295 : i32
    }
    %scan3A_15 = arith.constant 16 : i32
    %scan3A_16 = arith.constant 0 : i32
    %scan3A_17 = arith.constant 0 : i32
    %scan3A_18 = arith.constant 256 : i32
    %scan3A_19 = arith.addi %scan3A_17, %scan3A_18 : i32
    %scan3A_20 = arith.constant 1 : i32
    %scan3A_21 = scf.for %scan3A_66 = %scan3A_17 to %scan3A_19 step %scan3A_20 iter_args(%scan3A_67 = %scan3A_16) -> (i32)  : i32 {
      %dma_wait3A = arith.constant 0 : i32
      %dma_wait3A_68 = tpu.memref_slice %arg9[%scan3A_66, %dma_wait3A] : memref<256x64xf32, #tpu.memory_space<vmem>> -> memref<1x64xf32, #tpu.memory_space<vmem>>
      %dma_wait3A_69 = arith.constant 0 : i32
      %dma_wait3A_70 = arith.constant 0 : i32
      %dma_wait3A_71 = tpu.memref_slice %arg4[%dma_wait3A_69, %dma_wait3A_70] : memref<1000001x64xf32, #tpu.memory_space<hbm>> -> memref<1x64xf32, #tpu.memory_space<hbm>>
      %dma_wait3A_72 = arith.constant 0 : i32
      %dma_wait3A_73 = tpu.memref_slice %arg9[%scan3A_66, %dma_wait3A_72] : memref<256x64xf32, #tpu.memory_space<vmem>> -> memref<1x64xf32, #tpu.memory_space<vmem>>
      %dma_wait3A_74 = arith.constant 0 : i32
      %dma_wait3A_75 = arith.constant 0 : i32
      %dma_wait3A_76 = tpu.memref_slice %arg4[%dma_wait3A_74, %dma_wait3A_75] : memref<1000001x64xf32, #tpu.memory_space<hbm>> -> memref<1x64xf32, #tpu.memory_space<hbm>>
      tpu.wait_dma2 semaphore(%arg12 : memref<!tpu.dma_semaphore, #tpu.memory_space<semaphore_mem>>) src(%dma_wait3A_76 : memref<1x64xf32, #tpu.memory_space<hbm>>) dst(%dma_wait3A_73 : memref<1x64xf32, #tpu.memory_space<vmem>>)
      %scan3A_77 = arith.constant 0 : i32
      scf.yield %scan3A_77 : i32
    }
    %scan3A_22 = arith.constant 256 : i32
    %add3A_23 = arith.constant 0 : i32
    %add3A_24 = arith.addi %mul3A_2, %add3A_23 : i32
    "tpu.region"() ({
      %run_scoped3A = tpu.sem_alloc : memref<!tpu.dma_semaphore, #tpu.memory_space<semaphore_mem>>
      %dma_start3A = arith.constant 0 : i32
      %dma_start3A_66 = tpu.memref_slice %arg6[%add3A_24, %dma_start3A] : memref<16384x64xf32, #tpu.memory_space<hbm>> -> memref<256x64xf32, #tpu.memory_space<hbm>>
      %dma_start3A_67 = arith.constant 0 : i32
      %dma_start3A_68 = tpu.memref_slice %arg6[%add3A_24, %dma_start3A_67] : memref<16384x64xf32, #tpu.memory_space<hbm>> -> memref<256x64xf32, #tpu.memory_space<hbm>>
      tpu.enqueue_dma source(%arg9 : memref<256x64xf32, #tpu.memory_space<vmem>>) target(%dma_start3A_68 : memref<256x64xf32, #tpu.memory_space<hbm>>) target_semaphore(%run_scoped3A : memref<!tpu.dma_semaphore, #tpu.memory_space<semaphore_mem>>)
      %dma_wait3A = arith.constant 0 : i32
      %dma_wait3A_69 = tpu.memref_slice %arg6[%add3A_24, %dma_wait3A] : memref<16384x64xf32, #tpu.memory_space<hbm>> -> memref<256x64xf32, #tpu.memory_space<hbm>>
      %dma_wait3A_70 = arith.constant 0 : i32
      %dma_wait3A_71 = tpu.memref_slice %arg6[%add3A_24, %dma_wait3A_70] : memref<16384x64xf32, #tpu.memory_space<hbm>> -> memref<256x64xf32, #tpu.memory_space<hbm>>
      tpu.wait_dma2 semaphore(%run_scoped3A : memref<!tpu.dma_semaphore, #tpu.memory_space<semaphore_mem>>) src(%arg9 : memref<256x64xf32, #tpu.memory_space<vmem>>) dst(%dma_wait3A_71 : memref<256x64xf32, #tpu.memory_space<hbm>>)
      tpu.yield
    }) : () -> ()
    %scan3A_25 = arith.constant 0 : i32
    %scan3A_26 = arith.constant 0 : i32
    %scan3A_27 = arith.constant 256 : i32
    %scan3A_28 = arith.addi %scan3A_26, %scan3A_27 : i32
    %scan3A_29 = arith.constant 1 : i32
    %scan3A_30 = scf.for %scan3A_66 = %scan3A_26 to %scan3A_28 step %scan3A_29 iter_args(%scan3A_67 = %scan3A_25) -> (i32)  : i32 {
      %dma_wait3A = arith.constant 0 : i32
      %dma_wait3A_68 = tpu.memref_slice %arg11[%scan3A_66, %dma_wait3A] : memref<256x64xf32, #tpu.memory_space<vmem>> -> memref<1x64xf32, #tpu.memory_space<vmem>>
      %dma_wait3A_69 = arith.constant 0 : i32
      %dma_wait3A_70 = arith.constant 0 : i32
      %dma_wait3A_71 = tpu.memref_slice %arg5[%dma_wait3A_69, %dma_wait3A_70] : memref<1000000x64xf32, #tpu.memory_space<hbm>> -> memref<1x64xf32, #tpu.memory_space<hbm>>
      %dma_wait3A_72 = arith.constant 0 : i32
      %dma_wait3A_73 = tpu.memref_slice %arg11[%scan3A_66, %dma_wait3A_72] : memref<256x64xf32, #tpu.memory_space<vmem>> -> memref<1x64xf32, #tpu.memory_space<vmem>>
      %dma_wait3A_74 = arith.constant 0 : i32
      %dma_wait3A_75 = arith.constant 0 : i32
      %dma_wait3A_76 = tpu.memref_slice %arg5[%dma_wait3A_74, %dma_wait3A_75] : memref<1000000x64xf32, #tpu.memory_space<hbm>> -> memref<1x64xf32, #tpu.memory_space<hbm>>
      tpu.wait_dma2 semaphore(%arg13 : memref<!tpu.dma_semaphore, #tpu.memory_space<semaphore_mem>>) src(%dma_wait3A_76 : memref<1x64xf32, #tpu.memory_space<hbm>>) dst(%dma_wait3A_73 : memref<1x64xf32, #tpu.memory_space<vmem>>)
      %scan3A_77 = arith.constant 0 : i32
      scf.yield %scan3A_77 : i32
    }
    %scan3A_31 = arith.constant 256 : i32
    %add3A_32 = arith.constant 0 : i32
    %add3A_33 = arith.addi %mul3A_2, %add3A_32 : i32
    "tpu.region"() ({
      %run_scoped3A = tpu.sem_alloc : memref<!tpu.dma_semaphore, #tpu.memory_space<semaphore_mem>>
      %dma_start3A = arith.constant 0 : i32
      %dma_start3A_66 = tpu.memref_slice %arg7[%add3A_33, %dma_start3A] : memref<16384x64xf32, #tpu.memory_space<hbm>> -> memref<256x64xf32, #tpu.memory_space<hbm>>
      %dma_start3A_67 = arith.constant 0 : i32
      %dma_start3A_68 = tpu.memref_slice %arg7[%add3A_33, %dma_start3A_67] : memref<16384x64xf32, #tpu.memory_space<hbm>> -> memref<256x64xf32, #tpu.memory_space<hbm>>
      tpu.enqueue_dma source(%arg11 : memref<256x64xf32, #tpu.memory_space<vmem>>) target(%dma_start3A_68 : memref<256x64xf32, #tpu.memory_space<hbm>>) target_semaphore(%run_scoped3A : memref<!tpu.dma_semaphore, #tpu.memory_space<semaphore_mem>>)
      %dma_wait3A = arith.constant 0 : i32
      %dma_wait3A_69 = tpu.memref_slice %arg7[%add3A_33, %dma_wait3A] : memref<16384x64xf32, #tpu.memory_space<hbm>> -> memref<256x64xf32, #tpu.memory_space<hbm>>
      %dma_wait3A_70 = arith.constant 0 : i32
      %dma_wait3A_71 = tpu.memref_slice %arg7[%add3A_33, %dma_wait3A_70] : memref<16384x64xf32, #tpu.memory_space<hbm>> -> memref<256x64xf32, #tpu.memory_space<hbm>>
      tpu.wait_dma2 semaphore(%run_scoped3A : memref<!tpu.dma_semaphore, #tpu.memory_space<semaphore_mem>>) src(%arg11 : memref<256x64xf32, #tpu.memory_space<vmem>>) dst(%dma_wait3A_71 : memref<256x64xf32, #tpu.memory_space<hbm>>)
      tpu.yield
    }) : () -> ()
    %scan3A_34 = arith.constant 0 : i32
    %scan3A_35 = arith.constant 0 : i32
    %scan3A_36 = arith.constant 16 : i32
    %scan3A_37 = arith.addi %scan3A_35, %scan3A_36 : i32
    %scan3A_38 = arith.constant 1 : i32
    %scan3A_39 = scf.for %scan3A_66 = %scan3A_35 to %scan3A_37 step %scan3A_38 iter_args(%scan3A_67 = %scan3A_34) -> (i32)  : i32 {
      %mul3A_68 = arith.constant 16 : i32
      %mul3A_69 = arith.muli %scan3A_66, %mul3A_68 : i32
      %add3A_70 = arith.constant 256 : i32
      %add3A_71 = arith.addi %add3A_70, %mul3A_69 : i32
      %get3A = arith.index_cast %add3A_71 : i32 to index
      %get3A_72 = tpu.vector_load %arg8[%get3A] {strides = array<i32>} : memref<512xi32, #tpu.memory_space<vmem>>, vector<16xi32>,
      %get3A_73 = vector.shape_cast %get3A_72 : vector<16xi32> to vector<16xi32>
      %slice3A = vector.extract_strided_slice %get3A_73 {offsets = [0], sizes = [1], strides = [1]} : vector<16xi32> to vector<1xi32>
      %squeeze3A = vector.extract %slice3A[0] : i32 from vector<1xi32>
      %mul3A_74 = arith.constant 16 : i32
      %mul3A_75 = arith.muli %scan3A_66, %mul3A_74 : i32
      %add3A_76 = arith.constant 0 : i32
      %add3A_77 = arith.addi %mul3A_75, %add3A_76 : i32
      %dma_start3A = arith.constant 0 : i32
      %dma_start3A_78 = tpu.memref_slice %arg9[%add3A_77, %dma_start3A] : memref<256x64xf32, #tpu.memory_space<vmem>> -> memref<1x64xf32, #tpu.memory_space<vmem>>
      %dma_start3A_79 = arith.constant 0 : i32
      %dma_start3A_80 = tpu.memref_slice %arg4[%squeeze3A, %dma_start3A_79] : memref<1000001x64xf32, #tpu.memory_space<hbm>> -> memref<1x64xf32, #tpu.memory_space<hbm>>
      %dma_start3A_81 = arith.constant 0 : i32
      %dma_start3A_82 = tpu.memref_slice %arg9[%add3A_77, %dma_start3A_81] : memref<256x64xf32, #tpu.memory_space<vmem>> -> memref<1x64xf32, #tpu.memory_space<vmem>>
      %dma_start3A_83 = arith.constant 0 : i32
      %dma_start3A_84 = tpu.memref_slice %arg4[%squeeze3A, %dma_start3A_83] : memref<1000001x64xf32, #tpu.memory_space<hbm>> -> memref<1x64xf32, #tpu.memory_space<hbm>>
      tpu.enqueue_dma source(%dma_start3A_84 : memref<1x64xf32, #tpu.memory_space<hbm>>) target(%dma_start3A_82 : memref<1x64xf32, #tpu.memory_space<vmem>>) target_semaphore(%arg12 : memref<!tpu.dma_semaphore, #tpu.memory_space<semaphore_mem>>)
      %slice3A_85 = vector.extract_strided_slice %get3A_73 {offsets = [1], sizes = [1], strides = [1]} : vector<16xi32> to vector<1xi32>
      %squeeze3A_86 = vector.extract %slice3A_85[0] : i32 from vector<1xi32>
      %mul3A_87 = arith.constant 16 : i32
      %mul3A_88 = arith.muli %scan3A_66, %mul3A_87 : i32
      %add3A_89 = arith.constant 1 : i32
      %add3A_90 = arith.addi %mul3A_88, %add3A_89 : i32
      %dma_start3A_91 = arith.constant 0 : i32
      %dma_start3A_92 = tpu.memref_slice %arg9[%add3A_90, %dma_start3A_91] : memref<256x64xf32, #tpu.memory_space<vmem>> -> memref<1x64xf32, #tpu.memory_space<vmem>>
      %dma_start3A_93 = arith.constant 0 : i32
      %dma_start3A_94 = tpu.memref_slice %arg4[%squeeze3A_86, %dma_start3A_93] : memref<1000001x64xf32, #tpu.memory_space<hbm>> -> memref<1x64xf32, #tpu.memory_space<hbm>>
      %dma_start3A_95 = arith.constant 0 : i32
      %dma_start3A_96 = tpu.memref_slice %arg9[%add3A_90, %dma_start3A_95] : memref<256x64xf32, #tpu.memory_space<vmem>> -> memref<1x64xf32, #tpu.memory_space<vmem>>
      %dma_start3A_97 = arith.constant 0 : i32
      %dma_start3A_98 = tpu.memref_slice %arg4[%squeeze3A_86, %dma_start3A_97] : memref<1000001x64xf32, #tpu.memory_space<hbm>> -> memref<1x64xf32, #tpu.memory_space<hbm>>
      tpu.enqueue_dma source(%dma_start3A_98 : memref<1x64xf32, #tpu.memory_space<hbm>>) target(%dma_start3A_96 : memref<1x64xf32, #tpu.memory_space<vmem>>) target_semaphore(%arg12 : memref<!tpu.dma_semaphore, #tpu.memory_space<semaphore_mem>>)
      %slice3A_99 = vector.extract_strided_slice %get3A_73 {offsets = [2], sizes = [1], strides = [1]} : vector<16xi32> to vector<1xi32>
      %squeeze3A_100 = vector.extract %slice3A_99[0] : i32 from vector<1xi32>
      %mul3A_101 = arith.constant 16 : i32
      %mul3A_102 = arith.muli %scan3A_66, %mul3A_101 : i32
      %add3A_103 = arith.constant 2 : i32
      %add3A_104 = arith.addi %mul3A_102, %add3A_103 : i32
      %dma_start3A_105 = arith.constant 0 : i32
      %dma_start3A_106 = tpu.memref_slice %arg9[%add3A_104, %dma_start3A_105] : memref<256x64xf32, #tpu.memory_space<vmem>> -> memref<1x64xf32, #tpu.memory_space<vmem>>
      %dma_start3A_107 = arith.constant 0 : i32
      %dma_start3A_108 = tpu.memref_slice %arg4[%squeeze3A_100, %dma_start3A_107] : memref<1000001x64xf32, #tpu.memory_space<hbm>> -> memref<1x64xf32, #tpu.memory_space<hbm>>
      %dma_start3A_109 = arith.constant 0 : i32
      %dma_start3A_110 = tpu.memref_slice %arg9[%add3A_104, %dma_start3A_109] : memref<256x64xf32, #tpu.memory_space<vmem>> -> memref<1x64xf32, #tpu.memory_space<vmem>>
      %dma_start3A_111 = arith.constant 0 : i32
      %dma_start3A_112 = tpu.memref_slice %arg4[%squeeze3A_100, %dma_start3A_111] : memref<1000001x64xf32, #tpu.memory_space<hbm>> -> memref<1x64xf32, #tpu.memory_space<hbm>>
      tpu.enqueue_dma source(%dma_start3A_112 : memref<1x64xf32, #tpu.memory_space<hbm>>) target(%dma_start3A_110 : memref<1x64xf32, #tpu.memory_space<vmem>>) target_semaphore(%arg12 : memref<!tpu.dma_semaphore, #tpu.memory_space<semaphore_mem>>)
      %slice3A_113 = vector.extract_strided_slice %get3A_73 {offsets = [3], sizes = [1], strides = [1]} : vector<16xi32> to vector<1xi32>
      %squeeze3A_114 = vector.extract %slice3A_113[0] : i32 from vector<1xi32>
      %mul3A_115 = arith.constant 16 : i32
      %mul3A_116 = arith.muli %scan3A_66, %mul3A_115 : i32
      %add3A_117 = arith.constant 3 : i32
      %add3A_118 = arith.addi %mul3A_116, %add3A_117 : i32
      %dma_start3A_119 = arith.constant 0 : i32
      %dma_start3A_120 = tpu.memref_slice %arg9[%add3A_118, %dma_start3A_119] : memref<256x64xf32, #tpu.memory_space<vmem>> -> memref<1x64xf32, #tpu.memory_space<vmem>>
      %dma_start3A_121 = arith.constant 0 : i32
      %dma_start3A_122 = tpu.memref_slice %arg4[%squeeze3A_114, %dma_start3A_121] : memref<1000001x64xf32, #tpu.memory_space<hbm>> -> memref<1x64xf32, #tpu.memory_space<hbm>>
      %dma_start3A_123 = arith.constant 0 : i32
      %dma_start3A_124 = tpu.memref_slice %arg9[%add3A_118, %dma_start3A_123] : memref<256x64xf32, #tpu.memory_space<vmem>> -> memref<1x64xf32, #tpu.memory_space<vmem>>
      %dma_start3A_125 = arith.constant 0 : i32
      %dma_start3A_126 = tpu.memref_slice %arg4[%squeeze3A_114, %dma_start3A_125] : memref<1000001x64xf32, #tpu.memory_space<hbm>> -> memref<1x64xf32, #tpu.memory_space<hbm>>
      tpu.enqueue_dma source(%dma_start3A_126 : memref<1x64xf32, #tpu.memory_space<hbm>>) target(%dma_start3A_124 : memref<1x64xf32, #tpu.memory_space<vmem>>) target_semaphore(%arg12 : memref<!tpu.dma_semaphore, #tpu.memory_space<semaphore_mem>>)
      %slice3A_127 = vector.extract_strided_slice %get3A_73 {offsets = [4], sizes = [1], strides = [1]} : vector<16xi32> to vector<1xi32>
      %squeeze3A_128 = vector.extract %slice3A_127[0] : i32 from vector<1xi32>
      %mul3A_129 = arith.constant 16 : i32
      %mul3A_130 = arith.muli %scan3A_66, %mul3A_129 : i32
      %add3A_131 = arith.constant 4 : i32
      %add3A_132 = arith.addi %mul3A_130, %add3A_131 : i32
      %dma_start3A_133 = arith.constant 0 : i32
      %dma_start3A_134 = tpu.memref_slice %arg9[%add3A_132, %dma_start3A_133] : memref<256x64xf32, #tpu.memory_space<vmem>> -> memref<1x64xf32, #tpu.memory_space<vmem>>
      %dma_start3A_135 = arith.constant 0 : i32
      %dma_start3A_136 = tpu.memref_slice %arg4[%squeeze3A_128, %dma_start3A_135] : memref<1000001x64xf32, #tpu.memory_space<hbm>> -> memref<1x64xf32, #tpu.memory_space<hbm>>
      %dma_start3A_137 = arith.constant 0 : i32
      %dma_start3A_138 = tpu.memref_slice %arg9[%add3A_132, %dma_start3A_137] : memref<256x64xf32, #tpu.memory_space<vmem>> -> memref<1x64xf32, #tpu.memory_space<vmem>>
      %dma_start3A_139 = arith.constant 0 : i32
      %dma_start3A_140 = tpu.memref_slice %arg4[%squeeze3A_128, %dma_start3A_139] : memref<1000001x64xf32, #tpu.memory_space<hbm>> -> memref<1x64xf32, #tpu.memory_space<hbm>>
      tpu.enqueue_dma source(%dma_start3A_140 : memref<1x64xf32, #tpu.memory_space<hbm>>) target(%dma_start3A_138 : memref<1x64xf32, #tpu.memory_space<vmem>>) target_semaphore(%arg12 : memref<!tpu.dma_semaphore, #tpu.memory_space<semaphore_mem>>)
      %slice3A_141 = vector.extract_strided_slice %get3A_73 {offsets = [5], sizes = [1], strides = [1]} : vector<16xi32> to vector<1xi32>
      %squeeze3A_142 = vector.extract %slice3A_141[0] : i32 from vector<1xi32>
      %mul3A_143 = arith.constant 16 : i32
      %mul3A_144 = arith.muli %scan3A_66, %mul3A_143 : i32
      %add3A_145 = arith.constant 5 : i32
      %add3A_146 = arith.addi %mul3A_144, %add3A_145 : i32
      %dma_start3A_147 = arith.constant 0 : i32
      %dma_start3A_148 = tpu.memref_slice %arg9[%add3A_146, %dma_start3A_147] : memref<256x64xf32, #tpu.memory_space<vmem>> -> memref<1x64xf32, #tpu.memory_space<vmem>>
      %dma_start3A_149 = arith.constant 0 : i32
      %dma_start3A_150 = tpu.memref_slice %arg4[%squeeze3A_142, %dma_start3A_149] : memref<1000001x64xf32, #tpu.memory_space<hbm>> -> memref<1x64xf32, #tpu.memory_space<hbm>>
      %dma_start3A_151 = arith.constant 0 : i32
      %dma_start3A_152 = tpu.memref_slice %arg9[%add3A_146, %dma_start3A_151] : memref<256x64xf32, #tpu.memory_space<vmem>> -> memref<1x64xf32, #tpu.memory_space<vmem>>
      %dma_start3A_153 = arith.constant 0 : i32
      %dma_start3A_154 = tpu.memref_slice %arg4[%squeeze3A_142, %dma_start3A_153] : memref<1000001x64xf32, #tpu.memory_space<hbm>> -> memref<1x64xf32, #tpu.memory_space<hbm>>
      tpu.enqueue_dma source(%dma_start3A_154 : memref<1x64xf32, #tpu.memory_space<hbm>>) target(%dma_start3A_152 : memref<1x64xf32, #tpu.memory_space<vmem>>) target_semaphore(%arg12 : memref<!tpu.dma_semaphore, #tpu.memory_space<semaphore_mem>>)
      %slice3A_155 = vector.extract_strided_slice %get3A_73 {offsets = [6], sizes = [1], strides = [1]} : vector<16xi32> to vector<1xi32>
      %squeeze3A_156 = vector.extract %slice3A_155[0] : i32 from vector<1xi32>
      %mul3A_157 = arith.constant 16 : i32
      %mul3A_158 = arith.muli %scan3A_66, %mul3A_157 : i32
      %add3A_159 = arith.constant 6 : i32
      %add3A_160 = arith.addi %mul3A_158, %add3A_159 : i32
      %dma_start3A_161 = arith.constant 0 : i32
      %dma_start3A_162 = tpu.memref_slice %arg9[%add3A_160, %dma_start3A_161] : memref<256x64xf32, #tpu.memory_space<vmem>> -> memref<1x64xf32, #tpu.memory_space<vmem>>
      %dma_start3A_163 = arith.constant 0 : i32
      %dma_start3A_164 = tpu.memref_slice %arg4[%squeeze3A_156, %dma_start3A_163] : memref<1000001x64xf32, #tpu.memory_space<hbm>> -> memref<1x64xf32, #tpu.memory_space<hbm>>
      %dma_start3A_165 = arith.constant 0 : i32
      %dma_start3A_166 = tpu.memref_slice %arg9[%add3A_160, %dma_start3A_165] : memref<256x64xf32, #tpu.memory_space<vmem>> -> memref<1x64xf32, #tpu.memory_space<vmem>>
      %dma_start3A_167 = arith.constant 0 : i32
      %dma_start3A_168 = tpu.memref_slice %arg4[%squeeze3A_156, %dma_start3A_167] : memref<1000001x64xf32, #tpu.memory_space<hbm>> -> memref<1x64xf32, #tpu.memory_space<hbm>>
      tpu.enqueue_dma source(%dma_start3A_168 : memref<1x64xf32, #tpu.memory_space<hbm>>) target(%dma_start3A_166 : memref<1x64xf32, #tpu.memory_space<vmem>>) target_semaphore(%arg12 : memref<!tpu.dma_semaphore, #tpu.memory_space<semaphore_mem>>)
      %slice3A_169 = vector.extract_strided_slice %get3A_73 {offsets = [7], sizes = [1], strides = [1]} : vector<16xi32> to vector<1xi32>
      %squeeze3A_170 = vector.extract %slice3A_169[0] : i32 from vector<1xi32>
      %mul3A_171 = arith.constant 16 : i32
      %mul3A_172 = arith.muli %scan3A_66, %mul3A_171 : i32
      %add3A_173 = arith.constant 7 : i32
      %add3A_174 = arith.addi %mul3A_172, %add3A_173 : i32
      %dma_start3A_175 = arith.constant 0 : i32
      %dma_start3A_176 = tpu.memref_slice %arg9[%add3A_174, %dma_start3A_175] : memref<256x64xf32, #tpu.memory_space<vmem>> -> memref<1x64xf32, #tpu.memory_space<vmem>>
      %dma_start3A_177 = arith.constant 0 : i32
      %dma_start3A_178 = tpu.memref_slice %arg4[%squeeze3A_170, %dma_start3A_177] : memref<1000001x64xf32, #tpu.memory_space<hbm>> -> memref<1x64xf32, #tpu.memory_space<hbm>>
      %dma_start3A_179 = arith.constant 0 : i32
      %dma_start3A_180 = tpu.memref_slice %arg9[%add3A_174, %dma_start3A_179] : memref<256x64xf32, #tpu.memory_space<vmem>> -> memref<1x64xf32, #tpu.memory_space<vmem>>
      %dma_start3A_181 = arith.constant 0 : i32
      %dma_start3A_182 = tpu.memref_slice %arg4[%squeeze3A_170, %dma_start3A_181] : memref<1000001x64xf32, #tpu.memory_space<hbm>> -> memref<1x64xf32, #tpu.memory_space<hbm>>
      tpu.enqueue_dma source(%dma_start3A_182 : memref<1x64xf32, #tpu.memory_space<hbm>>) target(%dma_start3A_180 : memref<1x64xf32, #tpu.memory_space<vmem>>) target_semaphore(%arg12 : memref<!tpu.dma_semaphore, #tpu.memory_space<semaphore_mem>>)
      %slice3A_183 = vector.extract_strided_slice %get3A_73 {offsets = [8], sizes = [1], strides = [1]} : vector<16xi32> to vector<1xi32>
      %squeeze3A_184 = vector.extract %slice3A_183[0] : i32 from vector<1xi32>
      %mul3A_185 = arith.constant 16 : i32
      %mul3A_186 = arith.muli %scan3A_66, %mul3A_185 : i32
      %add3A_187 = arith.constant 8 : i32
      %add3A_188 = arith.addi %mul3A_186, %add3A_187 : i32
      %dma_start3A_189 = arith.constant 0 : i32
      %dma_start3A_190 = tpu.memref_slice %arg9[%add3A_188, %dma_start3A_189] : memref<256x64xf32, #tpu.memory_space<vmem>> -> memref<1x64xf32, #tpu.memory_space<vmem>>
      %dma_start3A_191 = arith.constant 0 : i32
      %dma_start3A_192 = tpu.memref_slice %arg4[%squeeze3A_184, %dma_start3A_191] : memref<1000001x64xf32, #tpu.memory_space<hbm>> -> memref<1x64xf32, #tpu.memory_space<hbm>>
      %dma_start3A_193 = arith.constant 0 : i32
      %dma_start3A_194 = tpu.memref_slice %arg9[%add3A_188, %dma_start3A_193] : memref<256x64xf32, #tpu.memory_space<vmem>> -> memref<1x64xf32, #tpu.memory_space<vmem>>
      %dma_start3A_195 = arith.constant 0 : i32
      %dma_start3A_196 = tpu.memref_slice %arg4[%squeeze3A_184, %dma_start3A_195] : memref<1000001x64xf32, #tpu.memory_space<hbm>> -> memref<1x64xf32, #tpu.memory_space<hbm>>
      tpu.enqueue_dma source(%dma_start3A_196 : memref<1x64xf32, #tpu.memory_space<hbm>>) target(%dma_start3A_194 : memref<1x64xf32, #tpu.memory_space<vmem>>) target_semaphore(%arg12 : memref<!tpu.dma_semaphore, #tpu.memory_space<semaphore_mem>>)
      %slice3A_197 = vector.extract_strided_slice %get3A_73 {offsets = [9], sizes = [1], strides = [1]} : vector<16xi32> to vector<1xi32>
      %squeeze3A_198 = vector.extract %slice3A_197[0] : i32 from vector<1xi32>
      %mul3A_199 = arith.constant 16 : i32
      %mul3A_200 = arith.muli %scan3A_66, %mul3A_199 : i32
      %add3A_201 = arith.constant 9 : i32
      %add3A_202 = arith.addi %mul3A_200, %add3A_201 : i32
      %dma_start3A_203 = arith.constant 0 : i32
      %dma_start3A_204 = tpu.memref_slice %arg9[%add3A_202, %dma_start3A_203] : memref<256x64xf32, #tpu.memory_space<vmem>> -> memref<1x64xf32, #tpu.memory_space<vmem>>
      %dma_start3A_205 = arith.constant 0 : i32
      %dma_start3A_206 = tpu.memref_slice %arg4[%squeeze3A_198, %dma_start3A_205] : memref<1000001x64xf32, #tpu.memory_space<hbm>> -> memref<1x64xf32, #tpu.memory_space<hbm>>
      %dma_start3A_207 = arith.constant 0 : i32
      %dma_start3A_208 = tpu.memref_slice %arg9[%add3A_202, %dma_start3A_207] : memref<256x64xf32, #tpu.memory_space<vmem>> -> memref<1x64xf32, #tpu.memory_space<vmem>>
      %dma_start3A_209 = arith.constant 0 : i32
      %dma_start3A_210 = tpu.memref_slice %arg4[%squeeze3A_198, %dma_start3A_209] : memref<1000001x64xf32, #tpu.memory_space<hbm>> -> memref<1x64xf32, #tpu.memory_space<hbm>>
      tpu.enqueue_dma source(%dma_start3A_210 : memref<1x64xf32, #tpu.memory_space<hbm>>) target(%dma_start3A_208 : memref<1x64xf32, #tpu.memory_space<vmem>>) target_semaphore(%arg12 : memref<!tpu.dma_semaphore, #tpu.memory_space<semaphore_mem>>)
      %slice3A_211 = vector.extract_strided_slice %get3A_73 {offsets = [10], sizes = [1], strides = [1]} : vector<16xi32> to vector<1xi32>
      %squeeze3A_212 = vector.extract %slice3A_211[0] : i32 from vector<1xi32>
      %mul3A_213 = arith.constant 16 : i32
      %mul3A_214 = arith.muli %scan3A_66, %mul3A_213 : i32
      %add3A_215 = arith.constant 10 : i32
      %add3A_216 = arith.addi %mul3A_214, %add3A_215 : i32
      %dma_start3A_217 = arith.constant 0 : i32
      %dma_start3A_218 = tpu.memref_slice %arg9[%add3A_216, %dma_start3A_217] : memref<256x64xf32, #tpu.memory_space<vmem>> -> memref<1x64xf32, #tpu.memory_space<vmem>>
      %dma_start3A_219 = arith.constant 0 : i32
      %dma_start3A_220 = tpu.memref_slice %arg4[%squeeze3A_212, %dma_start3A_219] : memref<1000001x64xf32, #tpu.memory_space<hbm>> -> memref<1x64xf32, #tpu.memory_space<hbm>>
      %dma_start3A_221 = arith.constant 0 : i32
      %dma_start3A_222 = tpu.memref_slice %arg9[%add3A_216, %dma_start3A_221] : memref<256x64xf32, #tpu.memory_space<vmem>> -> memref<1x64xf32, #tpu.memory_space<vmem>>
      %dma_start3A_223 = arith.constant 0 : i32
      %dma_start3A_224 = tpu.memref_slice %arg4[%squeeze3A_212, %dma_start3A_223] : memref<1000001x64xf32, #tpu.memory_space<hbm>> -> memref<1x64xf32, #tpu.memory_space<hbm>>
      tpu.enqueue_dma source(%dma_start3A_224 : memref<1x64xf32, #tpu.memory_space<hbm>>) target(%dma_start3A_222 : memref<1x64xf32, #tpu.memory_space<vmem>>) target_semaphore(%arg12 : memref<!tpu.dma_semaphore, #tpu.memory_space<semaphore_mem>>)
      %slice3A_225 = vector.extract_strided_slice %get3A_73 {offsets = [11], sizes = [1], strides = [1]} : vector<16xi32> to vector<1xi32>
      %squeeze3A_226 = vector.extract %slice3A_225[0] : i32 from vector<1xi32>
      %mul3A_227 = arith.constant 16 : i32
      %mul3A_228 = arith.muli %scan3A_66, %mul3A_227 : i32
      %add3A_229 = arith.constant 11 : i32
      %add3A_230 = arith.addi %mul3A_228, %add3A_229 : i32
      %dma_start3A_231 = arith.constant 0 : i32
      %dma_start3A_232 = tpu.memref_slice %arg9[%add3A_230, %dma_start3A_231] : memref<256x64xf32, #tpu.memory_space<vmem>> -> memref<1x64xf32, #tpu.memory_space<vmem>>
      %dma_start3A_233 = arith.constant 0 : i32
      %dma_start3A_234 = tpu.memref_slice %arg4[%squeeze3A_226, %dma_start3A_233] : memref<1000001x64xf32, #tpu.memory_space<hbm>> -> memref<1x64xf32, #tpu.memory_space<hbm>>
      %dma_start3A_235 = arith.constant 0 : i32
      %dma_start3A_236 = tpu.memref_slice %arg9[%add3A_230, %dma_start3A_235] : memref<256x64xf32, #tpu.memory_space<vmem>> -> memref<1x64xf32, #tpu.memory_space<vmem>>
      %dma_start3A_237 = arith.constant 0 : i32
      %dma_start3A_238 = tpu.memref_slice %arg4[%squeeze3A_226, %dma_start3A_237] : memref<1000001x64xf32, #tpu.memory_space<hbm>> -> memref<1x64xf32, #tpu.memory_space<hbm>>
      tpu.enqueue_dma source(%dma_start3A_238 : memref<1x64xf32, #tpu.memory_space<hbm>>) target(%dma_start3A_236 : memref<1x64xf32, #tpu.memory_space<vmem>>) target_semaphore(%arg12 : memref<!tpu.dma_semaphore, #tpu.memory_space<semaphore_mem>>)
      %slice3A_239 = vector.extract_strided_slice %get3A_73 {offsets = [12], sizes = [1], strides = [1]} : vector<16xi32> to vector<1xi32>
      %squeeze3A_240 = vector.extract %slice3A_239[0] : i32 from vector<1xi32>
      %mul3A_241 = arith.constant 16 : i32
      %mul3A_242 = arith.muli %scan3A_66, %mul3A_241 : i32
      %add3A_243 = arith.constant 12 : i32
      %add3A_244 = arith.addi %mul3A_242, %add3A_243 : i32
      %dma_start3A_245 = arith.constant 0 : i32
      %dma_start3A_246 = tpu.memref_slice %arg9[%add3A_244, %dma_start3A_245] : memref<256x64xf32, #tpu.memory_space<vmem>> -> memref<1x64xf32, #tpu.memory_space<vmem>>
      %dma_start3A_247 = arith.constant 0 : i32
      %dma_start3A_248 = tpu.memref_slice %arg4[%squeeze3A_240, %dma_start3A_247] : memref<1000001x64xf32, #tpu.memory_space<hbm>> -> memref<1x64xf32, #tpu.memory_space<hbm>>
      %dma_start3A_249 = arith.constant 0 : i32
      %dma_start3A_250 = tpu.memref_slice %arg9[%add3A_244, %dma_start3A_249] : memref<256x64xf32, #tpu.memory_space<vmem>> -> memref<1x64xf32, #tpu.memory_space<vmem>>
      %dma_start3A_251 = arith.constant 0 : i32
      %dma_start3A_252 = tpu.memref_slice %arg4[%squeeze3A_240, %dma_start3A_251] : memref<1000001x64xf32, #tpu.memory_space<hbm>> -> memref<1x64xf32, #tpu.memory_space<hbm>>
      tpu.enqueue_dma source(%dma_start3A_252 : memref<1x64xf32, #tpu.memory_space<hbm>>) target(%dma_start3A_250 : memref<1x64xf32, #tpu.memory_space<vmem>>) target_semaphore(%arg12 : memref<!tpu.dma_semaphore, #tpu.memory_space<semaphore_mem>>)
      %slice3A_253 = vector.extract_strided_slice %get3A_73 {offsets = [13], sizes = [1], strides = [1]} : vector<16xi32> to vector<1xi32>
      %squeeze3A_254 = vector.extract %slice3A_253[0] : i32 from vector<1xi32>
      %mul3A_255 = arith.constant 16 : i32
      %mul3A_256 = arith.muli %scan3A_66, %mul3A_255 : i32
      %add3A_257 = arith.constant 13 : i32
      %add3A_258 = arith.addi %mul3A_256, %add3A_257 : i32
      %dma_start3A_259 = arith.constant 0 : i32
      %dma_start3A_260 = tpu.memref_slice %arg9[%add3A_258, %dma_start3A_259] : memref<256x64xf32, #tpu.memory_space<vmem>> -> memref<1x64xf32, #tpu.memory_space<vmem>>
      %dma_start3A_261 = arith.constant 0 : i32
      %dma_start3A_262 = tpu.memref_slice %arg4[%squeeze3A_254, %dma_start3A_261] : memref<1000001x64xf32, #tpu.memory_space<hbm>> -> memref<1x64xf32, #tpu.memory_space<hbm>>
      %dma_start3A_263 = arith.constant 0 : i32
      %dma_start3A_264 = tpu.memref_slice %arg9[%add3A_258, %dma_start3A_263] : memref<256x64xf32, #tpu.memory_space<vmem>> -> memref<1x64xf32, #tpu.memory_space<vmem>>
      %dma_start3A_265 = arith.constant 0 : i32
      %dma_start3A_266 = tpu.memref_slice %arg4[%squeeze3A_254, %dma_start3A_265] : memref<1000001x64xf32, #tpu.memory_space<hbm>> -> memref<1x64xf32, #tpu.memory_space<hbm>>
      tpu.enqueue_dma source(%dma_start3A_266 : memref<1x64xf32, #tpu.memory_space<hbm>>) target(%dma_start3A_264 : memref<1x64xf32, #tpu.memory_space<vmem>>) target_semaphore(%arg12 : memref<!tpu.dma_semaphore, #tpu.memory_space<semaphore_mem>>)
      %slice3A_267 = vector.extract_strided_slice %get3A_73 {offsets = [14], sizes = [1], strides = [1]} : vector<16xi32> to vector<1xi32>
      %squeeze3A_268 = vector.extract %slice3A_267[0] : i32 from vector<1xi32>
      %mul3A_269 = arith.constant 16 : i32
      %mul3A_270 = arith.muli %scan3A_66, %mul3A_269 : i32
      %add3A_271 = arith.constant 14 : i32
      %add3A_272 = arith.addi %mul3A_270, %add3A_271 : i32
      %dma_start3A_273 = arith.constant 0 : i32
      %dma_start3A_274 = tpu.memref_slice %arg9[%add3A_272, %dma_start3A_273] : memref<256x64xf32, #tpu.memory_space<vmem>> -> memref<1x64xf32, #tpu.memory_space<vmem>>
      %dma_start3A_275 = arith.constant 0 : i32
      %dma_start3A_276 = tpu.memref_slice %arg4[%squeeze3A_268, %dma_start3A_275] : memref<1000001x64xf32, #tpu.memory_space<hbm>> -> memref<1x64xf32, #tpu.memory_space<hbm>>
      %dma_start3A_277 = arith.constant 0 : i32
      %dma_start3A_278 = tpu.memref_slice %arg9[%add3A_272, %dma_start3A_277] : memref<256x64xf32, #tpu.memory_space<vmem>> -> memref<1x64xf32, #tpu.memory_space<vmem>>
      %dma_start3A_279 = arith.constant 0 : i32
      %dma_start3A_280 = tpu.memref_slice %arg4[%squeeze3A_268, %dma_start3A_279] : memref<1000001x64xf32, #tpu.memory_space<hbm>> -> memref<1x64xf32, #tpu.memory_space<hbm>>
      tpu.enqueue_dma source(%dma_start3A_280 : memref<1x64xf32, #tpu.memory_space<hbm>>) target(%dma_start3A_278 : memref<1x64xf32, #tpu.memory_space<vmem>>) target_semaphore(%arg12 : memref<!tpu.dma_semaphore, #tpu.memory_space<semaphore_mem>>)
      %slice3A_281 = vector.extract_strided_slice %get3A_73 {offsets = [15], sizes = [1], strides = [1]} : vector<16xi32> to vector<1xi32>
      %squeeze3A_282 = vector.extract %slice3A_281[0] : i32 from vector<1xi32>
      %mul3A_283 = arith.constant 16 : i32
      %mul3A_284 = arith.muli %scan3A_66, %mul3A_283 : i32
      %add3A_285 = arith.constant 15 : i32
      %add3A_286 = arith.addi %mul3A_284, %add3A_285 : i32
      %dma_start3A_287 = arith.constant 0 : i32
      %dma_start3A_288 = tpu.memref_slice %arg9[%add3A_286, %dma_start3A_287] : memref<256x64xf32, #tpu.memory_space<vmem>> -> memref<1x64xf32, #tpu.memory_space<vmem>>
      %dma_start3A_289 = arith.constant 0 : i32
      %dma_start3A_290 = tpu.memref_slice %arg4[%squeeze3A_282, %dma_start3A_289] : memref<1000001x64xf32, #tpu.memory_space<hbm>> -> memref<1x64xf32, #tpu.memory_space<hbm>>
      %dma_start3A_291 = arith.constant 0 : i32
      %dma_start3A_292 = tpu.memref_slice %arg9[%add3A_286, %dma_start3A_291] : memref<256x64xf32, #tpu.memory_space<vmem>> -> memref<1x64xf32, #tpu.memory_space<vmem>>
      %dma_start3A_293 = arith.constant 0 : i32
      %dma_start3A_294 = tpu.memref_slice %arg4[%squeeze3A_282, %dma_start3A_293] : memref<1000001x64xf32, #tpu.memory_space<hbm>> -> memref<1x64xf32, #tpu.memory_space<hbm>>
      tpu.enqueue_dma source(%dma_start3A_294 : memref<1x64xf32, #tpu.memory_space<hbm>>) target(%dma_start3A_292 : memref<1x64xf32, #tpu.memory_space<vmem>>) target_semaphore(%arg12 : memref<!tpu.dma_semaphore, #tpu.memory_space<semaphore_mem>>)
      %scan3A_295 = arith.constant 0 : i32
      scf.yield %scan3A_295 : i32
    }
    %scan3A_40 = arith.constant 16 : i32
    %scan3A_41 = arith.constant 0 : i32
    %scan3A_42 = arith.constant 0 : i32
    %scan3A_43 = arith.constant 16 : i32
    %scan3A_44 = arith.addi %scan3A_42, %scan3A_43 : i32
    %scan3A_45 = arith.constant 1 : i32
    %scan3A_46 = scf.for %scan3A_66 = %scan3A_42 to %scan3A_44 step %scan3A_45 iter_args(%scan3A_67 = %scan3A_41) -> (i32)  : i32 {
      %mul3A_68 = arith.constant 16 : i32
      %mul3A_69 = arith.muli %scan3A_66, %mul3A_68 : i32
      %add3A_70 = arith.constant 256 : i32
      %add3A_71 = arith.addi %add3A_70, %mul3A_69 : i32
      %get3A = arith.index_cast %add3A_71 : i32 to index
      %get3A_72 = tpu.vector_load %arg10[%get3A] {strides = array<i32>} : memref<512xi32, #tpu.memory_space<vmem>>, vector<16xi32>,
      %get3A_73 = vector.shape_cast %get3A_72 : vector<16xi32> to vector<16xi32>
      %slice3A = vector.extract_strided_slice %get3A_73 {offsets = [0], sizes = [1], strides = [1]} : vector<16xi32> to vector<1xi32>
      %squeeze3A = vector.extract %slice3A[0] : i32 from vector<1xi32>
      %mul3A_74 = arith.constant 16 : i32
      %mul3A_75 = arith.muli %scan3A_66, %mul3A_74 : i32
      %add3A_76 = arith.constant 0 : i32
      %add3A_77 = arith.addi %mul3A_75, %add3A_76 : i32
      %dma_start3A = arith.constant 0 : i32
      %dma_start3A_78 = tpu.memref_slice %arg11[%add3A_77, %dma_start3A] : memref<256x64xf32, #tpu.memory_space<vmem>> -> memref<1x64xf32, #tpu.memory_space<vmem>>
      %dma_start3A_79 = arith.constant 0 : i32
      %dma_start3A_80 = tpu.memref_slice %arg5[%squeeze3A, %dma_start3A_79] : memref<1000000x64xf32, #tpu.memory_space<hbm>> -> memref<1x64xf32, #tpu.memory_space<hbm>>
      %dma_start3A_81 = arith.constant 0 : i32
      %dma_start3A_82 = tpu.memref_slice %arg11[%add3A_77, %dma_start3A_81] : memref<256x64xf32, #tpu.memory_space<vmem>> -> memref<1x64xf32, #tpu.memory_space<vmem>>
      %dma_start3A_83 = arith.constant 0 : i32
      %dma_start3A_84 = tpu.memref_slice %arg5[%squeeze3A, %dma_start3A_83] : memref<1000000x64xf32, #tpu.memory_space<hbm>> -> memref<1x64xf32, #tpu.memory_space<hbm>>
      tpu.enqueue_dma source(%dma_start3A_84 : memref<1x64xf32, #tpu.memory_space<hbm>>) target(%dma_start3A_82 : memref<1x64xf32, #tpu.memory_space<vmem>>) target_semaphore(%arg13 : memref<!tpu.dma_semaphore, #tpu.memory_space<semaphore_mem>>)
      %slice3A_85 = vector.extract_strided_slice %get3A_73 {offsets = [1], sizes = [1], strides = [1]} : vector<16xi32> to vector<1xi32>
      %squeeze3A_86 = vector.extract %slice3A_85[0] : i32 from vector<1xi32>
      %mul3A_87 = arith.constant 16 : i32
      %mul3A_88 = arith.muli %scan3A_66, %mul3A_87 : i32
      %add3A_89 = arith.constant 1 : i32
      %add3A_90 = arith.addi %mul3A_88, %add3A_89 : i32
      %dma_start3A_91 = arith.constant 0 : i32
      %dma_start3A_92 = tpu.memref_slice %arg11[%add3A_90, %dma_start3A_91] : memref<256x64xf32, #tpu.memory_space<vmem>> -> memref<1x64xf32, #tpu.memory_space<vmem>>
      %dma_start3A_93 = arith.constant 0 : i32
      %dma_start3A_94 = tpu.memref_slice %arg5[%squeeze3A_86, %dma_start3A_93] : memref<1000000x64xf32, #tpu.memory_space<hbm>> -> memref<1x64xf32, #tpu.memory_space<hbm>>
      %dma_start3A_95 = arith.constant 0 : i32
      %dma_start3A_96 = tpu.memref_slice %arg11[%add3A_90, %dma_start3A_95] : memref<256x64xf32, #tpu.memory_space<vmem>> -> memref<1x64xf32, #tpu.memory_space<vmem>>
      %dma_start3A_97 = arith.constant 0 : i32
      %dma_start3A_98 = tpu.memref_slice %arg5[%squeeze3A_86, %dma_start3A_97] : memref<1000000x64xf32, #tpu.memory_space<hbm>> -> memref<1x64xf32, #tpu.memory_space<hbm>>
      tpu.enqueue_dma source(%dma_start3A_98 : memref<1x64xf32, #tpu.memory_space<hbm>>) target(%dma_start3A_96 : memref<1x64xf32, #tpu.memory_space<vmem>>) target_semaphore(%arg13 : memref<!tpu.dma_semaphore, #tpu.memory_space<semaphore_mem>>)
      %slice3A_99 = vector.extract_strided_slice %get3A_73 {offsets = [2], sizes = [1], strides = [1]} : vector<16xi32> to vector<1xi32>
      %squeeze3A_100 = vector.extract %slice3A_99[0] : i32 from vector<1xi32>
      %mul3A_101 = arith.constant 16 : i32
      %mul3A_102 = arith.muli %scan3A_66, %mul3A_101 : i32
      %add3A_103 = arith.constant 2 : i32
      %add3A_104 = arith.addi %mul3A_102, %add3A_103 : i32
      %dma_start3A_105 = arith.constant 0 : i32
      %dma_start3A_106 = tpu.memref_slice %arg11[%add3A_104, %dma_start3A_105] : memref<256x64xf32, #tpu.memory_space<vmem>> -> memref<1x64xf32, #tpu.memory_space<vmem>>
      %dma_start3A_107 = arith.constant 0 : i32
      %dma_start3A_108 = tpu.memref_slice %arg5[%squeeze3A_100, %dma_start3A_107] : memref<1000000x64xf32, #tpu.memory_space<hbm>> -> memref<1x64xf32, #tpu.memory_space<hbm>>
      %dma_start3A_109 = arith.constant 0 : i32
      %dma_start3A_110 = tpu.memref_slice %arg11[%add3A_104, %dma_start3A_109] : memref<256x64xf32, #tpu.memory_space<vmem>> -> memref<1x64xf32, #tpu.memory_space<vmem>>
      %dma_start3A_111 = arith.constant 0 : i32
      %dma_start3A_112 = tpu.memref_slice %arg5[%squeeze3A_100, %dma_start3A_111] : memref<1000000x64xf32, #tpu.memory_space<hbm>> -> memref<1x64xf32, #tpu.memory_space<hbm>>
      tpu.enqueue_dma source(%dma_start3A_112 : memref<1x64xf32, #tpu.memory_space<hbm>>) target(%dma_start3A_110 : memref<1x64xf32, #tpu.memory_space<vmem>>) target_semaphore(%arg13 : memref<!tpu.dma_semaphore, #tpu.memory_space<semaphore_mem>>)
      %slice3A_113 = vector.extract_strided_slice %get3A_73 {offsets = [3], sizes = [1], strides = [1]} : vector<16xi32> to vector<1xi32>
      %squeeze3A_114 = vector.extract %slice3A_113[0] : i32 from vector<1xi32>
      %mul3A_115 = arith.constant 16 : i32
      %mul3A_116 = arith.muli %scan3A_66, %mul3A_115 : i32
      %add3A_117 = arith.constant 3 : i32
      %add3A_118 = arith.addi %mul3A_116, %add3A_117 : i32
      %dma_start3A_119 = arith.constant 0 : i32
      %dma_start3A_120 = tpu.memref_slice %arg11[%add3A_118, %dma_start3A_119] : memref<256x64xf32, #tpu.memory_space<vmem>> -> memref<1x64xf32, #tpu.memory_space<vmem>>
      %dma_start3A_121 = arith.constant 0 : i32
      %dma_start3A_122 = tpu.memref_slice %arg5[%squeeze3A_114, %dma_start3A_121] : memref<1000000x64xf32, #tpu.memory_space<hbm>> -> memref<1x64xf32, #tpu.memory_space<hbm>>
      %dma_start3A_123 = arith.constant 0 : i32
      %dma_start3A_124 = tpu.memref_slice %arg11[%add3A_118, %dma_start3A_123] : memref<256x64xf32, #tpu.memory_space<vmem>> -> memref<1x64xf32, #tpu.memory_space<vmem>>
      %dma_start3A_125 = arith.constant 0 : i32
      %dma_start3A_126 = tpu.memref_slice %arg5[%squeeze3A_114, %dma_start3A_125] : memref<1000000x64xf32, #tpu.memory_space<hbm>> -> memref<1x64xf32, #tpu.memory_space<hbm>>
      tpu.enqueue_dma source(%dma_start3A_126 : memref<1x64xf32, #tpu.memory_space<hbm>>) target(%dma_start3A_124 : memref<1x64xf32, #tpu.memory_space<vmem>>) target_semaphore(%arg13 : memref<!tpu.dma_semaphore, #tpu.memory_space<semaphore_mem>>)
      %slice3A_127 = vector.extract_strided_slice %get3A_73 {offsets = [4], sizes = [1], strides = [1]} : vector<16xi32> to vector<1xi32>
      %squeeze3A_128 = vector.extract %slice3A_127[0] : i32 from vector<1xi32>
      %mul3A_129 = arith.constant 16 : i32
      %mul3A_130 = arith.muli %scan3A_66, %mul3A_129 : i32
      %add3A_131 = arith.constant 4 : i32
      %add3A_132 = arith.addi %mul3A_130, %add3A_131 : i32
      %dma_start3A_133 = arith.constant 0 : i32
      %dma_start3A_134 = tpu.memref_slice %arg11[%add3A_132, %dma_start3A_133] : memref<256x64xf32, #tpu.memory_space<vmem>> -> memref<1x64xf32, #tpu.memory_space<vmem>>
      %dma_start3A_135 = arith.constant 0 : i32
      %dma_start3A_136 = tpu.memref_slice %arg5[%squeeze3A_128, %dma_start3A_135] : memref<1000000x64xf32, #tpu.memory_space<hbm>> -> memref<1x64xf32, #tpu.memory_space<hbm>>
      %dma_start3A_137 = arith.constant 0 : i32
      %dma_start3A_138 = tpu.memref_slice %arg11[%add3A_132, %dma_start3A_137] : memref<256x64xf32, #tpu.memory_space<vmem>> -> memref<1x64xf32, #tpu.memory_space<vmem>>
      %dma_start3A_139 = arith.constant 0 : i32
      %dma_start3A_140 = tpu.memref_slice %arg5[%squeeze3A_128, %dma_start3A_139] : memref<1000000x64xf32, #tpu.memory_space<hbm>> -> memref<1x64xf32, #tpu.memory_space<hbm>>
      tpu.enqueue_dma source(%dma_start3A_140 : memref<1x64xf32, #tpu.memory_space<hbm>>) target(%dma_start3A_138 : memref<1x64xf32, #tpu.memory_space<vmem>>) target_semaphore(%arg13 : memref<!tpu.dma_semaphore, #tpu.memory_space<semaphore_mem>>)
      %slice3A_141 = vector.extract_strided_slice %get3A_73 {offsets = [5], sizes = [1], strides = [1]} : vector<16xi32> to vector<1xi32>
      %squeeze3A_142 = vector.extract %slice3A_141[0] : i32 from vector<1xi32>
      %mul3A_143 = arith.constant 16 : i32
      %mul3A_144 = arith.muli %scan3A_66, %mul3A_143 : i32
      %add3A_145 = arith.constant 5 : i32
      %add3A_146 = arith.addi %mul3A_144, %add3A_145 : i32
      %dma_start3A_147 = arith.constant 0 : i32
      %dma_start3A_148 = tpu.memref_slice %arg11[%add3A_146, %dma_start3A_147] : memref<256x64xf32, #tpu.memory_space<vmem>> -> memref<1x64xf32, #tpu.memory_space<vmem>>
      %dma_start3A_149 = arith.constant 0 : i32
      %dma_start3A_150 = tpu.memref_slice %arg5[%squeeze3A_142, %dma_start3A_149] : memref<1000000x64xf32, #tpu.memory_space<hbm>> -> memref<1x64xf32, #tpu.memory_space<hbm>>
      %dma_start3A_151 = arith.constant 0 : i32
      %dma_start3A_152 = tpu.memref_slice %arg11[%add3A_146, %dma_start3A_151] : memref<256x64xf32, #tpu.memory_space<vmem>> -> memref<1x64xf32, #tpu.memory_space<vmem>>
      %dma_start3A_153 = arith.constant 0 : i32
      %dma_start3A_154 = tpu.memref_slice %arg5[%squeeze3A_142, %dma_start3A_153] : memref<1000000x64xf32, #tpu.memory_space<hbm>> -> memref<1x64xf32, #tpu.memory_space<hbm>>
      tpu.enqueue_dma source(%dma_start3A_154 : memref<1x64xf32, #tpu.memory_space<hbm>>) target(%dma_start3A_152 : memref<1x64xf32, #tpu.memory_space<vmem>>) target_semaphore(%arg13 : memref<!tpu.dma_semaphore, #tpu.memory_space<semaphore_mem>>)
      %slice3A_155 = vector.extract_strided_slice %get3A_73 {offsets = [6], sizes = [1], strides = [1]} : vector<16xi32> to vector<1xi32>
      %squeeze3A_156 = vector.extract %slice3A_155[0] : i32 from vector<1xi32>
      %mul3A_157 = arith.constant 16 : i32
      %mul3A_158 = arith.muli %scan3A_66, %mul3A_157 : i32
      %add3A_159 = arith.constant 6 : i32
      %add3A_160 = arith.addi %mul3A_158, %add3A_159 : i32
      %dma_start3A_161 = arith.constant 0 : i32
      %dma_start3A_162 = tpu.memref_slice %arg11[%add3A_160, %dma_start3A_161] : memref<256x64xf32, #tpu.memory_space<vmem>> -> memref<1x64xf32, #tpu.memory_space<vmem>>
      %dma_start3A_163 = arith.constant 0 : i32
      %dma_start3A_164 = tpu.memref_slice %arg5[%squeeze3A_156, %dma_start3A_163] : memref<1000000x64xf32, #tpu.memory_space<hbm>> -> memref<1x64xf32, #tpu.memory_space<hbm>>
      %dma_start3A_165 = arith.constant 0 : i32
      %dma_start3A_166 = tpu.memref_slice %arg11[%add3A_160, %dma_start3A_165] : memref<256x64xf32, #tpu.memory_space<vmem>> -> memref<1x64xf32, #tpu.memory_space<vmem>>
      %dma_start3A_167 = arith.constant 0 : i32
      %dma_start3A_168 = tpu.memref_slice %arg5[%squeeze3A_156, %dma_start3A_167] : memref<1000000x64xf32, #tpu.memory_space<hbm>> -> memref<1x64xf32, #tpu.memory_space<hbm>>
      tpu.enqueue_dma source(%dma_start3A_168 : memref<1x64xf32, #tpu.memory_space<hbm>>) target(%dma_start3A_166 : memref<1x64xf32, #tpu.memory_space<vmem>>) target_semaphore(%arg13 : memref<!tpu.dma_semaphore, #tpu.memory_space<semaphore_mem>>)
      %slice3A_169 = vector.extract_strided_slice %get3A_73 {offsets = [7], sizes = [1], strides = [1]} : vector<16xi32> to vector<1xi32>
      %squeeze3A_170 = vector.extract %slice3A_169[0] : i32 from vector<1xi32>
      %mul3A_171 = arith.constant 16 : i32
      %mul3A_172 = arith.muli %scan3A_66, %mul3A_171 : i32
      %add3A_173 = arith.constant 7 : i32
      %add3A_174 = arith.addi %mul3A_172, %add3A_173 : i32
      %dma_start3A_175 = arith.constant 0 : i32
      %dma_start3A_176 = tpu.memref_slice %arg11[%add3A_174, %dma_start3A_175] : memref<256x64xf32, #tpu.memory_space<vmem>> -> memref<1x64xf32, #tpu.memory_space<vmem>>
      %dma_start3A_177 = arith.constant 0 : i32
      %dma_start3A_178 = tpu.memref_slice %arg5[%squeeze3A_170, %dma_start3A_177] : memref<1000000x64xf32, #tpu.memory_space<hbm>> -> memref<1x64xf32, #tpu.memory_space<hbm>>
      %dma_start3A_179 = arith.constant 0 : i32
      %dma_start3A_180 = tpu.memref_slice %arg11[%add3A_174, %dma_start3A_179] : memref<256x64xf32, #tpu.memory_space<vmem>> -> memref<1x64xf32, #tpu.memory_space<vmem>>
      %dma_start3A_181 = arith.constant 0 : i32
      %dma_start3A_182 = tpu.memref_slice %arg5[%squeeze3A_170, %dma_start3A_181] : memref<1000000x64xf32, #tpu.memory_space<hbm>> -> memref<1x64xf32, #tpu.memory_space<hbm>>
      tpu.enqueue_dma source(%dma_start3A_182 : memref<1x64xf32, #tpu.memory_space<hbm>>) target(%dma_start3A_180 : memref<1x64xf32, #tpu.memory_space<vmem>>) target_semaphore(%arg13 : memref<!tpu.dma_semaphore, #tpu.memory_space<semaphore_mem>>)
      %slice3A_183 = vector.extract_strided_slice %get3A_73 {offsets = [8], sizes = [1], strides = [1]} : vector<16xi32> to vector<1xi32>
      %squeeze3A_184 = vector.extract %slice3A_183[0] : i32 from vector<1xi32>
      %mul3A_185 = arith.constant 16 : i32
      %mul3A_186 = arith.muli %scan3A_66, %mul3A_185 : i32
      %add3A_187 = arith.constant 8 : i32
      %add3A_188 = arith.addi %mul3A_186, %add3A_187 : i32
      %dma_start3A_189 = arith.constant 0 : i32
      %dma_start3A_190 = tpu.memref_slice %arg11[%add3A_188, %dma_start3A_189] : memref<256x64xf32, #tpu.memory_space<vmem>> -> memref<1x64xf32, #tpu.memory_space<vmem>>
      %dma_start3A_191 = arith.constant 0 : i32
      %dma_start3A_192 = tpu.memref_slice %arg5[%squeeze3A_184, %dma_start3A_191] : memref<1000000x64xf32, #tpu.memory_space<hbm>> -> memref<1x64xf32, #tpu.memory_space<hbm>>
      %dma_start3A_193 = arith.constant 0 : i32
      %dma_start3A_194 = tpu.memref_slice %arg11[%add3A_188, %dma_start3A_193] : memref<256x64xf32, #tpu.memory_space<vmem>> -> memref<1x64xf32, #tpu.memory_space<vmem>>
      %dma_start3A_195 = arith.constant 0 : i32
      %dma_start3A_196 = tpu.memref_slice %arg5[%squeeze3A_184, %dma_start3A_195] : memref<1000000x64xf32, #tpu.memory_space<hbm>> -> memref<1x64xf32, #tpu.memory_space<hbm>>
      tpu.enqueue_dma source(%dma_start3A_196 : memref<1x64xf32, #tpu.memory_space<hbm>>) target(%dma_start3A_194 : memref<1x64xf32, #tpu.memory_space<vmem>>) target_semaphore(%arg13 : memref<!tpu.dma_semaphore, #tpu.memory_space<semaphore_mem>>)
      %slice3A_197 = vector.extract_strided_slice %get3A_73 {offsets = [9], sizes = [1], strides = [1]} : vector<16xi32> to vector<1xi32>
      %squeeze3A_198 = vector.extract %slice3A_197[0] : i32 from vector<1xi32>
      %mul3A_199 = arith.constant 16 : i32
      %mul3A_200 = arith.muli %scan3A_66, %mul3A_199 : i32
      %add3A_201 = arith.constant 9 : i32
      %add3A_202 = arith.addi %mul3A_200, %add3A_201 : i32
      %dma_start3A_203 = arith.constant 0 : i32
      %dma_start3A_204 = tpu.memref_slice %arg11[%add3A_202, %dma_start3A_203] : memref<256x64xf32, #tpu.memory_space<vmem>> -> memref<1x64xf32, #tpu.memory_space<vmem>>
      %dma_start3A_205 = arith.constant 0 : i32
      %dma_start3A_206 = tpu.memref_slice %arg5[%squeeze3A_198, %dma_start3A_205] : memref<1000000x64xf32, #tpu.memory_space<hbm>> -> memref<1x64xf32, #tpu.memory_space<hbm>>
      %dma_start3A_207 = arith.constant 0 : i32
      %dma_start3A_208 = tpu.memref_slice %arg11[%add3A_202, %dma_start3A_207] : memref<256x64xf32, #tpu.memory_space<vmem>> -> memref<1x64xf32, #tpu.memory_space<vmem>>
      %dma_start3A_209 = arith.constant 0 : i32
      %dma_start3A_210 = tpu.memref_slice %arg5[%squeeze3A_198, %dma_start3A_209] : memref<1000000x64xf32, #tpu.memory_space<hbm>> -> memref<1x64xf32, #tpu.memory_space<hbm>>
      tpu.enqueue_dma source(%dma_start3A_210 : memref<1x64xf32, #tpu.memory_space<hbm>>) target(%dma_start3A_208 : memref<1x64xf32, #tpu.memory_space<vmem>>) target_semaphore(%arg13 : memref<!tpu.dma_semaphore, #tpu.memory_space<semaphore_mem>>)
      %slice3A_211 = vector.extract_strided_slice %get3A_73 {offsets = [10], sizes = [1], strides = [1]} : vector<16xi32> to vector<1xi32>
      %squeeze3A_212 = vector.extract %slice3A_211[0] : i32 from vector<1xi32>
      %mul3A_213 = arith.constant 16 : i32
      %mul3A_214 = arith.muli %scan3A_66, %mul3A_213 : i32
      %add3A_215 = arith.constant 10 : i32
      %add3A_216 = arith.addi %mul3A_214, %add3A_215 : i32
      %dma_start3A_217 = arith.constant 0 : i32
      %dma_start3A_218 = tpu.memref_slice %arg11[%add3A_216, %dma_start3A_217] : memref<256x64xf32, #tpu.memory_space<vmem>> -> memref<1x64xf32, #tpu.memory_space<vmem>>
      %dma_start3A_219 = arith.constant 0 : i32
      %dma_start3A_220 = tpu.memref_slice %arg5[%squeeze3A_212, %dma_start3A_219] : memref<1000000x64xf32, #tpu.memory_space<hbm>> -> memref<1x64xf32, #tpu.memory_space<hbm>>
      %dma_start3A_221 = arith.constant 0 : i32
      %dma_start3A_222 = tpu.memref_slice %arg11[%add3A_216, %dma_start3A_221] : memref<256x64xf32, #tpu.memory_space<vmem>> -> memref<1x64xf32, #tpu.memory_space<vmem>>
      %dma_start3A_223 = arith.constant 0 : i32
      %dma_start3A_224 = tpu.memref_slice %arg5[%squeeze3A_212, %dma_start3A_223] : memref<1000000x64xf32, #tpu.memory_space<hbm>> -> memref<1x64xf32, #tpu.memory_space<hbm>>
      tpu.enqueue_dma source(%dma_start3A_224 : memref<1x64xf32, #tpu.memory_space<hbm>>) target(%dma_start3A_222 : memref<1x64xf32, #tpu.memory_space<vmem>>) target_semaphore(%arg13 : memref<!tpu.dma_semaphore, #tpu.memory_space<semaphore_mem>>)
      %slice3A_225 = vector.extract_strided_slice %get3A_73 {offsets = [11], sizes = [1], strides = [1]} : vector<16xi32> to vector<1xi32>
      %squeeze3A_226 = vector.extract %slice3A_225[0] : i32 from vector<1xi32>
      %mul3A_227 = arith.constant 16 : i32
      %mul3A_228 = arith.muli %scan3A_66, %mul3A_227 : i32
      %add3A_229 = arith.constant 11 : i32
      %add3A_230 = arith.addi %mul3A_228, %add3A_229 : i32
      %dma_start3A_231 = arith.constant 0 : i32
      %dma_start3A_232 = tpu.memref_slice %arg11[%add3A_230, %dma_start3A_231] : memref<256x64xf32, #tpu.memory_space<vmem>> -> memref<1x64xf32, #tpu.memory_space<vmem>>
      %dma_start3A_233 = arith.constant 0 : i32
      %dma_start3A_234 = tpu.memref_slice %arg5[%squeeze3A_226, %dma_start3A_233] : memref<1000000x64xf32, #tpu.memory_space<hbm>> -> memref<1x64xf32, #tpu.memory_space<hbm>>
      %dma_start3A_235 = arith.constant 0 : i32
      %dma_start3A_236 = tpu.memref_slice %arg11[%add3A_230, %dma_start3A_235] : memref<256x64xf32, #tpu.memory_space<vmem>> -> memref<1x64xf32, #tpu.memory_space<vmem>>
      %dma_start3A_237 = arith.constant 0 : i32
      %dma_start3A_238 = tpu.memref_slice %arg5[%squeeze3A_226, %dma_start3A_237] : memref<1000000x64xf32, #tpu.memory_space<hbm>> -> memref<1x64xf32, #tpu.memory_space<hbm>>
      tpu.enqueue_dma source(%dma_start3A_238 : memref<1x64xf32, #tpu.memory_space<hbm>>) target(%dma_start3A_236 : memref<1x64xf32, #tpu.memory_space<vmem>>) target_semaphore(%arg13 : memref<!tpu.dma_semaphore, #tpu.memory_space<semaphore_mem>>)
      %slice3A_239 = vector.extract_strided_slice %get3A_73 {offsets = [12], sizes = [1], strides = [1]} : vector<16xi32> to vector<1xi32>
      %squeeze3A_240 = vector.extract %slice3A_239[0] : i32 from vector<1xi32>
      %mul3A_241 = arith.constant 16 : i32
      %mul3A_242 = arith.muli %scan3A_66, %mul3A_241 : i32
      %add3A_243 = arith.constant 12 : i32
      %add3A_244 = arith.addi %mul3A_242, %add3A_243 : i32
      %dma_start3A_245 = arith.constant 0 : i32
      %dma_start3A_246 = tpu.memref_slice %arg11[%add3A_244, %dma_start3A_245] : memref<256x64xf32, #tpu.memory_space<vmem>> -> memref<1x64xf32, #tpu.memory_space<vmem>>
      %dma_start3A_247 = arith.constant 0 : i32
      %dma_start3A_248 = tpu.memref_slice %arg5[%squeeze3A_240, %dma_start3A_247] : memref<1000000x64xf32, #tpu.memory_space<hbm>> -> memref<1x64xf32, #tpu.memory_space<hbm>>
      %dma_start3A_249 = arith.constant 0 : i32
      %dma_start3A_250 = tpu.memref_slice %arg11[%add3A_244, %dma_start3A_249] : memref<256x64xf32, #tpu.memory_space<vmem>> -> memref<1x64xf32, #tpu.memory_space<vmem>>
      %dma_start3A_251 = arith.constant 0 : i32
      %dma_start3A_252 = tpu.memref_slice %arg5[%squeeze3A_240, %dma_start3A_251] : memref<1000000x64xf32, #tpu.memory_space<hbm>> -> memref<1x64xf32, #tpu.memory_space<hbm>>
      tpu.enqueue_dma source(%dma_start3A_252 : memref<1x64xf32, #tpu.memory_space<hbm>>) target(%dma_start3A_250 : memref<1x64xf32, #tpu.memory_space<vmem>>) target_semaphore(%arg13 : memref<!tpu.dma_semaphore, #tpu.memory_space<semaphore_mem>>)
      %slice3A_253 = vector.extract_strided_slice %get3A_73 {offsets = [13], sizes = [1], strides = [1]} : vector<16xi32> to vector<1xi32>
      %squeeze3A_254 = vector.extract %slice3A_253[0] : i32 from vector<1xi32>
      %mul3A_255 = arith.constant 16 : i32
      %mul3A_256 = arith.muli %scan3A_66, %mul3A_255 : i32
      %add3A_257 = arith.constant 13 : i32
      %add3A_258 = arith.addi %mul3A_256, %add3A_257 : i32
      %dma_start3A_259 = arith.constant 0 : i32
      %dma_start3A_260 = tpu.memref_slice %arg11[%add3A_258, %dma_start3A_259] : memref<256x64xf32, #tpu.memory_space<vmem>> -> memref<1x64xf32, #tpu.memory_space<vmem>>
      %dma_start3A_261 = arith.constant 0 : i32
      %dma_start3A_262 = tpu.memref_slice %arg5[%squeeze3A_254, %dma_start3A_261] : memref<1000000x64xf32, #tpu.memory_space<hbm>> -> memref<1x64xf32, #tpu.memory_space<hbm>>
      %dma_start3A_263 = arith.constant 0 : i32
      %dma_start3A_264 = tpu.memref_slice %arg11[%add3A_258, %dma_start3A_263] : memref<256x64xf32, #tpu.memory_space<vmem>> -> memref<1x64xf32, #tpu.memory_space<vmem>>
      %dma_start3A_265 = arith.constant 0 : i32
      %dma_start3A_266 = tpu.memref_slice %arg5[%squeeze3A_254, %dma_start3A_265] : memref<1000000x64xf32, #tpu.memory_space<hbm>> -> memref<1x64xf32, #tpu.memory_space<hbm>>
      tpu.enqueue_dma source(%dma_start3A_266 : memref<1x64xf32, #tpu.memory_space<hbm>>) target(%dma_start3A_264 : memref<1x64xf32, #tpu.memory_space<vmem>>) target_semaphore(%arg13 : memref<!tpu.dma_semaphore, #tpu.memory_space<semaphore_mem>>)
      %slice3A_267 = vector.extract_strided_slice %get3A_73 {offsets = [14], sizes = [1], strides = [1]} : vector<16xi32> to vector<1xi32>
      %squeeze3A_268 = vector.extract %slice3A_267[0] : i32 from vector<1xi32>
      %mul3A_269 = arith.constant 16 : i32
      %mul3A_270 = arith.muli %scan3A_66, %mul3A_269 : i32
      %add3A_271 = arith.constant 14 : i32
      %add3A_272 = arith.addi %mul3A_270, %add3A_271 : i32
      %dma_start3A_273 = arith.constant 0 : i32
      %dma_start3A_274 = tpu.memref_slice %arg11[%add3A_272, %dma_start3A_273] : memref<256x64xf32, #tpu.memory_space<vmem>> -> memref<1x64xf32, #tpu.memory_space<vmem>>
      %dma_start3A_275 = arith.constant 0 : i32
      %dma_start3A_276 = tpu.memref_slice %arg5[%squeeze3A_268, %dma_start3A_275] : memref<1000000x64xf32, #tpu.memory_space<hbm>> -> memref<1x64xf32, #tpu.memory_space<hbm>>
      %dma_start3A_277 = arith.constant 0 : i32
      %dma_start3A_278 = tpu.memref_slice %arg11[%add3A_272, %dma_start3A_277] : memref<256x64xf32, #tpu.memory_space<vmem>> -> memref<1x64xf32, #tpu.memory_space<vmem>>
      %dma_start3A_279 = arith.constant 0 : i32
      %dma_start3A_280 = tpu.memref_slice %arg5[%squeeze3A_268, %dma_start3A_279] : memref<1000000x64xf32, #tpu.memory_space<hbm>> -> memref<1x64xf32, #tpu.memory_space<hbm>>
      tpu.enqueue_dma source(%dma_start3A_280 : memref<1x64xf32, #tpu.memory_space<hbm>>) target(%dma_start3A_278 : memref<1x64xf32, #tpu.memory_space<vmem>>) target_semaphore(%arg13 : memref<!tpu.dma_semaphore, #tpu.memory_space<semaphore_mem>>)
      %slice3A_281 = vector.extract_strided_slice %get3A_73 {offsets = [15], sizes = [1], strides = [1]} : vector<16xi32> to vector<1xi32>
      %squeeze3A_282 = vector.extract %slice3A_281[0] : i32 from vector<1xi32>
      %mul3A_283 = arith.constant 16 : i32
      %mul3A_284 = arith.muli %scan3A_66, %mul3A_283 : i32
      %add3A_285 = arith.constant 15 : i32
      %add3A_286 = arith.addi %mul3A_284, %add3A_285 : i32
      %dma_start3A_287 = arith.constant 0 : i32
      %dma_start3A_288 = tpu.memref_slice %arg11[%add3A_286, %dma_start3A_287] : memref<256x64xf32, #tpu.memory_space<vmem>> -> memref<1x64xf32, #tpu.memory_space<vmem>>
      %dma_start3A_289 = arith.constant 0 : i32
      %dma_start3A_290 = tpu.memref_slice %arg5[%squeeze3A_282, %dma_start3A_289] : memref<1000000x64xf32, #tpu.memory_space<hbm>> -> memref<1x64xf32, #tpu.memory_space<hbm>>
      %dma_start3A_291 = arith.constant 0 : i32
      %dma_start3A_292 = tpu.memref_slice %arg11[%add3A_286, %dma_start3A_291] : memref<256x64xf32, #tpu.memory_space<vmem>> -> memref<1x64xf32, #tpu.memory_space<vmem>>
      %dma_start3A_293 = arith.constant 0 : i32
      %dma_start3A_294 = tpu.memref_slice %arg5[%squeeze3A_282, %dma_start3A_293] : memref<1000000x64xf32, #tpu.memory_space<hbm>> -> memref<1x64xf32, #tpu.memory_space<hbm>>
      tpu.enqueue_dma source(%dma_start3A_294 : memref<1x64xf32, #tpu.memory_space<hbm>>) target(%dma_start3A_292 : memref<1x64xf32, #tpu.memory_space<vmem>>) target_semaphore(%arg13 : memref<!tpu.dma_semaphore, #tpu.memory_space<semaphore_mem>>)
      %scan3A_295 = arith.constant 0 : i32
      scf.yield %scan3A_295 : i32
    }
    %scan3A_47 = arith.constant 16 : i32
    %scan3A_48 = arith.constant 0 : i32
    %scan3A_49 = arith.constant 0 : i32
    %scan3A_50 = arith.constant 256 : i32
    %scan3A_51 = arith.addi %scan3A_49, %scan3A_50 : i32
    %scan3A_52 = arith.constant 1 : i32
    %scan3A_53 = scf.for %scan3A_66 = %scan3A_49 to %scan3A_51 step %scan3A_52 iter_args(%scan3A_67 = %scan3A_48) -> (i32)  : i32 {
      %dma_wait3A = arith.constant 0 : i32
      %dma_wait3A_68 = tpu.memref_slice %arg9[%scan3A_66, %dma_wait3A] : memref<256x64xf32, #tpu.memory_space<vmem>> -> memref<1x64xf32, #tpu.memory_space<vmem>>
      %dma_wait3A_69 = arith.constant 0 : i32
      %dma_wait3A_70 = arith.constant 0 : i32
      %dma_wait3A_71 = tpu.memref_slice %arg4[%dma_wait3A_69, %dma_wait3A_70] : memref<1000001x64xf32, #tpu.memory_space<hbm>> -> memref<1x64xf32, #tpu.memory_space<hbm>>
      %dma_wait3A_72 = arith.constant 0 : i32
      %dma_wait3A_73 = tpu.memref_slice %arg9[%scan3A_66, %dma_wait3A_72] : memref<256x64xf32, #tpu.memory_space<vmem>> -> memref<1x64xf32, #tpu.memory_space<vmem>>
      %dma_wait3A_74 = arith.constant 0 : i32
      %dma_wait3A_75 = arith.constant 0 : i32
      %dma_wait3A_76 = tpu.memref_slice %arg4[%dma_wait3A_74, %dma_wait3A_75] : memref<1000001x64xf32, #tpu.memory_space<hbm>> -> memref<1x64xf32, #tpu.memory_space<hbm>>
      tpu.wait_dma2 semaphore(%arg12 : memref<!tpu.dma_semaphore, #tpu.memory_space<semaphore_mem>>) src(%dma_wait3A_76 : memref<1x64xf32, #tpu.memory_space<hbm>>) dst(%dma_wait3A_73 : memref<1x64xf32, #tpu.memory_space<vmem>>)
      %scan3A_77 = arith.constant 0 : i32
      scf.yield %scan3A_77 : i32
    }
    %scan3A_54 = arith.constant 256 : i32
    %add3A_55 = arith.constant 256 : i32
    %add3A_56 = arith.addi %mul3A_2, %add3A_55 : i32
    "tpu.region"() ({
      %run_scoped3A = tpu.sem_alloc : memref<!tpu.dma_semaphore, #tpu.memory_space<semaphore_mem>>
      %dma_start3A = arith.constant 0 : i32
      %dma_start3A_66 = tpu.memref_slice %arg6[%add3A_56, %dma_start3A] : memref<16384x64xf32, #tpu.memory_space<hbm>> -> memref<256x64xf32, #tpu.memory_space<hbm>>
      %dma_start3A_67 = arith.constant 0 : i32
      %dma_start3A_68 = tpu.memref_slice %arg6[%add3A_56, %dma_start3A_67] : memref<16384x64xf32, #tpu.memory_space<hbm>> -> memref<256x64xf32, #tpu.memory_space<hbm>>
      tpu.enqueue_dma source(%arg9 : memref<256x64xf32, #tpu.memory_space<vmem>>) target(%dma_start3A_68 : memref<256x64xf32, #tpu.memory_space<hbm>>) target_semaphore(%run_scoped3A : memref<!tpu.dma_semaphore, #tpu.memory_space<semaphore_mem>>)
      %dma_wait3A = arith.constant 0 : i32
      %dma_wait3A_69 = tpu.memref_slice %arg6[%add3A_56, %dma_wait3A] : memref<16384x64xf32, #tpu.memory_space<hbm>> -> memref<256x64xf32, #tpu.memory_space<hbm>>
      %dma_wait3A_70 = arith.constant 0 : i32
      %dma_wait3A_71 = tpu.memref_slice %arg6[%add3A_56, %dma_wait3A_70] : memref<16384x64xf32, #tpu.memory_space<hbm>> -> memref<256x64xf32, #tpu.memory_space<hbm>>
      tpu.wait_dma2 semaphore(%run_scoped3A : memref<!tpu.dma_semaphore, #tpu.memory_space<semaphore_mem>>) src(%arg9 : memref<256x64xf32, #tpu.memory_space<vmem>>) dst(%dma_wait3A_71 : memref<256x64xf32, #tpu.memory_space<hbm>>)
      tpu.yield
    }) : () -> ()
    %scan3A_57 = arith.constant 0 : i32
    %scan3A_58 = arith.constant 0 : i32
    %scan3A_59 = arith.constant 256 : i32
    %scan3A_60 = arith.addi %scan3A_58, %scan3A_59 : i32
    %scan3A_61 = arith.constant 1 : i32
    %scan3A_62 = scf.for %scan3A_66 = %scan3A_58 to %scan3A_60 step %scan3A_61 iter_args(%scan3A_67 = %scan3A_57) -> (i32)  : i32 {
      %dma_wait3A = arith.constant 0 : i32
      %dma_wait3A_68 = tpu.memref_slice %arg11[%scan3A_66, %dma_wait3A] : memref<256x64xf32, #tpu.memory_space<vmem>> -> memref<1x64xf32, #tpu.memory_space<vmem>>
      %dma_wait3A_69 = arith.constant 0 : i32
      %dma_wait3A_70 = arith.constant 0 : i32
      %dma_wait3A_71 = tpu.memref_slice %arg5[%dma_wait3A_69, %dma_wait3A_70] : memref<1000000x64xf32, #tpu.memory_space<hbm>> -> memref<1x64xf32, #tpu.memory_space<hbm>>
      %dma_wait3A_72 = arith.constant 0 : i32
      %dma_wait3A_73 = tpu.memref_slice %arg11[%scan3A_66, %dma_wait3A_72] : memref<256x64xf32, #tpu.memory_space<vmem>> -> memref<1x64xf32, #tpu.memory_space<vmem>>
      %dma_wait3A_74 = arith.constant 0 : i32
      %dma_wait3A_75 = arith.constant 0 : i32
      %dma_wait3A_76 = tpu.memref_slice %arg5[%dma_wait3A_74, %dma_wait3A_75] : memref<1000000x64xf32, #tpu.memory_space<hbm>> -> memref<1x64xf32, #tpu.memory_space<hbm>>
      tpu.wait_dma2 semaphore(%arg13 : memref<!tpu.dma_semaphore, #tpu.memory_space<semaphore_mem>>) src(%dma_wait3A_76 : memref<1x64xf32, #tpu.memory_space<hbm>>) dst(%dma_wait3A_73 : memref<1x64xf32, #tpu.memory_space<vmem>>)
      %scan3A_77 = arith.constant 0 : i32
      scf.yield %scan3A_77 : i32
    }
    %scan3A_63 = arith.constant 256 : i32
    %add3A_64 = arith.constant 256 : i32
    %add3A_65 = arith.addi %mul3A_2, %add3A_64 : i32
    "tpu.region"() ({
      %run_scoped3A = tpu.sem_alloc : memref<!tpu.dma_semaphore, #tpu.memory_space<semaphore_mem>>
      %dma_start3A = arith.constant 0 : i32
      %dma_start3A_66 = tpu.memref_slice %arg7[%add3A_65, %dma_start3A] : memref<16384x64xf32, #tpu.memory_space<hbm>> -> memref<256x64xf32, #tpu.memory_space<hbm>>
      %dma_start3A_67 = arith.constant 0 : i32
      %dma_start3A_68 = tpu.memref_slice %arg7[%add3A_65, %dma_start3A_67] : memref<16384x64xf32, #tpu.memory_space<hbm>> -> memref<256x64xf32, #tpu.memory_space<hbm>>
      tpu.enqueue_dma source(%arg11 : memref<256x64xf32, #tpu.memory_space<vmem>>) target(%dma_start3A_68 : memref<256x64xf32, #tpu.memory_space<hbm>>) target_semaphore(%run_scoped3A : memref<!tpu.dma_semaphore, #tpu.memory_space<semaphore_mem>>)
      %dma_wait3A = arith.constant 0 : i32
      %dma_wait3A_69 = tpu.memref_slice %arg7[%add3A_65, %dma_wait3A] : memref<16384x64xf32, #tpu.memory_space<hbm>> -> memref<256x64xf32, #tpu.memory_space<hbm>>
      %dma_wait3A_70 = arith.constant 0 : i32
      %dma_wait3A_71 = tpu.memref_slice %arg7[%add3A_65, %dma_wait3A_70] : memref<16384x64xf32, #tpu.memory_space<hbm>> -> memref<256x64xf32, #tpu.memory_space<hbm>>
      tpu.wait_dma2 semaphore(%run_scoped3A : memref<!tpu.dma_semaphore, #tpu.memory_space<semaphore_mem>>) src(%arg11 : memref<256x64xf32, #tpu.memory_space<vmem>>) dst(%dma_wait3A_71 : memref<256x64xf32, #tpu.memory_space<hbm>>)
      tpu.yield
    }) : () -> ()
    return
  }
}

</mosaic_0001>

<sc_bundles>
// kernel: kernel.3.cloned.1.call-start
scs
__scs_entry_jumppad:
0x0: {  	(pc) =	sbr.rel $0x88, $3  }
0x1: {  	(tag) =	ssettag $0x0;
	lr =	simm.s32 $0x1  }
0x2: {  	[smem:$0x3F9D] =	sst lr;
	_ =	strace $0xD0000000  }
0x3: {  	_ = 	snop  }
0x4: {  	_ = 	snop  }
0x5: {  	_ = 	snop  }
0x6: {  	_ = 	snop  }
0x7: {  	_ = 	snop  }
__scs_overlays_trampoline_lowered:
0x8: {  	[smem:$0x3FAC] =	sst s0  }
0x9: {  	[smem:$0x3FAD] =	sst s1  }
0xa: {  	[smem:$0x3FAE] =	sst s2  }
0xb: {  	[smem:$0x3FAF] =	sst s3  }
0xc: {  	[smem:$0x3FB0] =	sst s4  }
0xd: {  	[smem:$0x3FB1] =	sst s5  }
0xe: {  	[smem:$0x3FB2] =	sst s6  }
0xf: {  	[smem:$0x3FB3] =	sst s7  }
0x10: {  	[smem:$0x3FB4] =	sst s8  }
0x11: {  	[smem:$0x3FB5] =	sst s9;
	s0 =	simm.s32 @!p0 $0x0  }
0x12: {  	s1 =	sld [smem:$0x3F9B];
	s0 =	simm.s32 @p0 $0x1  }
0x13: {  	[smem:$0x3FB6] =	sst s0;
	s0 =	simm.s32 @!p1 $0x0  }
0x14: {  	s2 =	sld [smem:$0x3F9A];
	s0 =	simm.s32 @p1 $0x1  }
0x15: {  	[smem:$0x3FB7] =	sst s0;
	s0 =	simm.s32 @!p2 $0x0  }
0x16: {  	s3 =	sld [smem:$0x3FDB];
	s0 =	simm.s32 @p2 $0x1  }
0x17: {  	s4 =	simm.s32 $0x1BF5;
	[smem:$0x3FB9] =	sst s0  }
0x18: {  	s0 =	sld [smem:$0x3F9C];
	_ =	swait.ge [sflag:s4], $0x0  }
0x19: {  	s7 =	sld [smem:$0x3F9D]  }
0x1a: {  	s8 =	sadd.s32 $0xFFFFE003, lr  }
0x1b: {  	s9 =	sadd.s32 $0xFFFFFEF7, lr;
	s5 =	simm.s32 $0xFFFFFFFF;
	p2 =	slt.u32 s8, $0xFFFFF086  }
0x1c: {  	p1 =	slt.u32 s9, $0xF7A;
	s5 =	simm.s32 @!p2 $0x0  }
0x1d: {  	s5 =	simm.s32 @p1 $0x1;
	p0 =	seq.s32 s7, s2  }
0x1e: {  	s7 =	smul.u32 @!p0 $0xF7A, s2;
	p2 =	seq.s32 @!p0 s5, $0x0  }
0x1f: {  	s9 =	smul.u32 $0xF7A, s1;
	s8 =	simm.s32 @!p0 $0x1BF5;
	p2 =	por !p2, p0  }
0x20: {  	[sflag:s8] =	ssyncset.s32 @!p0 $0xFFFFF086;
	s6 =	sadd.s32 @!p0 s3, s7;
	s7 =	simm.s32 @!p0 $0x108  }
0x21: {  	s3 =	sadd.s32 s3, s9;
	s6 =	sadd.s32 @!p0 $0x88, s6;
	s7 =	simm.s32 @p2 $0x1082  }
0x22: {  	[simem:s7], [sflag:s8] =	dma.local @!p0 [hbm:s6], $0xF7A  }
0x23: {  	s9 =	sor.u32 $0xD0000000, s2;
	s6 =	simm.s32 $0x108;
	_ =	swait.ge @!p0 [sflag:s8], $0x0  }
0x24: {  	s3 =	sadd.s32 $0x88, s3;
	s6 =	simm.s32 @!p1 $0x1082;
	[sflag:s4] =	ssyncset.s32 $0xFFFFF086  }
0x25: {  	[simem:s6], [sflag:s4] =	dma.local [hbm:s3], $0xF7A  }
0x26: {  	[smem:$0x3F9D] =	sst s1;
	(tag) =	ssettag s2;
	_ =	strace s9  }
0x27: {  	s1 =	sld [smem:$0x3FAD]  }
0x28: {  	s2 =	sld [smem:$0x3FAE]  }
0x29: {  	s4 =	sld [smem:$0x3FB0]  }
0x2a: {  	p0 =	seq.s32 s5, $0x0;
	s5 =	sld [smem:$0x3FB1]  }
0x2b: {  	s6 =	sld [smem:$0x3FB2]  }
0x2c: {  	s7 =	sld [smem:$0x3FB3]  }
0x2d: {  	s3 =	simm.s32 $0x108;
	s8 =	sld [smem:$0x3FB4]  }
0x2e: {  	s3 =	simm.s32 @!p0 $0x1082;
	s9 =	sld [smem:$0x3FB5]  }
0x2f: {  	lr =	sadd.s32 s0, s3;
	s0 =	sld [smem:$0x3FAC]  }
0x30: {  	s3 =	sld [smem:$0x3FAF]  }
0x31: {  	[smem:$0x3FB8] =	sst s10  }
0x32: {  	s10 =	sld [smem:$0x3FB6];
	_ =	sdelay $0x3  }
0x33: {  	p0 =	seq.s32 s10, $0x1;
	s10 =	sld [smem:$0x3FB8];
	_ =	sdelay $0x3  }
0x34: {  	[smem:$0x3FB8] =	sst s10  }
0x35: {  	s10 =	sld [smem:$0x3FB7];
	_ =	sdelay $0x3  }
0x36: {  	p1 =	seq.s32 s10, $0x1;
	s10 =	sld [smem:$0x3FB8];
	_ =	sdelay $0x3  }
0x37: {  	[smem:$0x3FB8] =	sst s10  }
0x38: {  	s10 =	sld [smem:$0x3FB9]  }
0x39: {  	_ = 	snop;
	(pc) =	sbr.ind lr, $3  }
0x3a: {  	_ = 	snop  }
0x3b: {  	_ = 	snop  }
0x3c: {  	p2 =	seq.s32 s10, $0x1;
	s10 =	sld [smem:$0x3FB8]  }
0x3d: {  	_ =	shalt  }
0x3e: {  	_ =	shalt  }
0x3f: {  	_ =	shalt  }
0x40: {  	_ =	shalt  }
0x41: {  	_ =	shalt  }
0x42: {  	_ =	shalt  }
0x43: {  	_ =	shalt  }
0x44: {  	_ =	shalt  }
0x45: {  	_ =	shalt  }
0x46: {  	_ =	shalt  }
0x47: {  	_ =	shalt  }
0x48: {  	_ =	shalt  }
0x49: {  	_ =	shalt  }
0x4a: {  	_ =	shalt  }
0x4b: {  	_ =	shalt  }
0x4c: {  	_ =	shalt  }
0x4d: {  	_ =	shalt  }
0x4e: {  	_ =	shalt  }
0x4f: {  	_ =	shalt  }
0x50: {  	_ =	shalt  }
0x51: {  	_ =	shalt  }
0x52: {  	_ =	shalt  }
0x53: {  	_ =	shalt  }
0x54: {  	_ =	shalt  }
0x55: {  	_ =	shalt  }
0x56: {  	_ =	shalt  }
0x57: {  	_ =	shalt  }
0x58: {  	_ =	shalt  }
0x59: {  	_ =	shalt  }
0x5a: {  	_ =	shalt  }
0x5b: {  	_ =	shalt  }
0x5c: {  	_ =	shalt  }
0x5d: {  	_ =	shalt  }
0x5e: {  	_ =	shalt  }
0x5f: {  	_ =	shalt  }
0x60: {  	_ =	shalt  }
0x61: {  	_ =	shalt  }
0x62: {  	_ =	shalt  }
0x63: {  	_ =	shalt  }
0x64: {  	_ =	shalt  }
0x65: {  	_ =	shalt  }
0x66: {  	_ =	shalt  }
0x67: {  	_ =	shalt  }
0x68: {  	_ =	shalt  }
0x69: {  	_ =	shalt  }
0x6a: {  	_ =	shalt  }
0x6b: {  	_ =	shalt  }
0x6c: {  	_ =	shalt  }
0x6d: {  	_ =	shalt  }
0x6e: {  	_ =	shalt  }
0x6f: {  	_ =	shalt  }
0x70: {  	_ =	shalt  }
0x71: {  	_ =	shalt  }
0x72: {  	_ =	shalt  }
0x73: {  	_ =	shalt  }
0x74: {  	_ =	shalt  }
0x75: {  	_ =	shalt  }
0x76: {  	_ =	shalt  }
0x77: {  	_ =	shalt  }
0x78: {  	_ =	shalt  }
0x79: {  	_ =	shalt  }
0x7a: {  	_ =	shalt  }
0x7b: {  	_ =	shalt  }
0x7c: {  	_ =	shalt  }
0x7d: {  	_ =	shalt  }
0x7e: {  	_ =	shalt  }
0x7f: {  	_ =	shalt  }
0x80: {  	_ =	shalt  }
0x81: {  	_ =	shalt  }
0x82: {  	_ =	shalt  }
0x83: {  	_ =	shalt  }
0x84: {  	_ =	shalt  }
0x85: {  	_ =	shalt  }
0x86: {  	_ =	shalt  }
0x87: {  	_ =	shalt  }
.Lfunc_end0:
.L_simem_size_0:
called_computation_lowered:
.L_overlay_start_0:
0x88: {  	s2 =	sld [smem:$0x3FD9]  }
0x89: {  	s3 =	sld [smem:$0x3FFE];
	_ =	sdelay $0x1  }
0x8a: {  	s1 =	srdreg.scid  }
0x8b: {  	s0 =	sand.u32 $0x1, s1  }
0x8c: {  	s17 =	sshll.u32 s0, $0xA;
	s2 =	sadd.s32 s3, s2  }
0x8d: {  	s2 =	sadd.s32 s2, s17  }
0x8e: {  	[smem:$0x3FC4] =	sst s2  }
0x8f: {  	_ = 	snop  }
0x90: {  	s2 =	sld [smem:$0x3FC9]  }
0x91: {  	s18 =	sld [smem:$0x3FC8];
	(tm) =	ssettm $0x1  }
0x92: {  	s4 =	sld [smem:$0x3FFB];
	_ =	sdelay $0x3  }
0x93: {  	_ =	strace s4  }
0x94: {  	s4 =	sld [smem:$0x3FFC];
	_ =	sdelay $0x3  }
0x95: {  	_ =	strace s4  }
0x96: {  	s4 =	sld [smem:$0x3FFD];
	_ =	sdelay $0x3  }
0x97: {  	_ =	strace s4  }
0x98: {  	_ =	strace $0x8FFFFFFF  }
0x99: {  	s19 =	sld [smem:$0x3FDB];
	_ =	sdelay $0x1  }
0x9a: {  	s5 =	simm.s32 $_scs_section_size  }
0x9b: {  	s6 =	simm.s32 $_size__tile_overlayer_lowered;
	s7 =	simm.s32 $_tile_overlayer_lowered  }
0x9c: {  	s22 =	simm.s32 $0x1BFF;
	s21 =	sshll.u32 s7, $0x1;
	s4 =	sadd.s32 s5, s19  }
0x9d: {  	s8 =	simm.s32 $0x0;
	s20 =	sshll.u32 s6, $0x1;
	s6 =	sadd.s32 s21, s4  }
0x9e: {  	[timem:s8], [sflag:s22] =	dma.local [hbm:s6], s20  }
0x9f: {  	_ =	swait.ge [sflag:s22], s20  }
0xa0: {  	s5 =	ssub.s32 $0x0, s20;
	[sflag:s22] =	ssyncset.done $0x0  }
0xa1: {  	[sflag:s22] =	ssyncadd.s32 s5;
	_ =	sdelay $0x1  }
0xa2: {  	s23 =	simm.s32 $0x1B8B  }
0xa3: {  	_ =	swait.ge [sflag:s23], $0x1  }
0xa4: {  	[sflag:s23] =	ssyncset.done $0x0  }
0xa5: {  	s25 =	simm.s32 $0x1B8E;
	s24 =	sld [smem:$0x3FFE];
	[sflag:s23] =	ssyncadd.s32 $0xFFFFFFFF  }
0xa6: {  	s26 =	simm.s32 $execute0_lowered;
	[smem:$0x3FD2] =	sst s25  }
0xa7: {  	s6 =	sshll.u32 s26, $0x1;
	_ =	strace $0x80000046;
	[dreg:$0x1] =	wrdreg $0xFFFFFFFF  }
0xa8: {  	s28 =	simm.s32 $_size_execute0_lowered;
	s4 =	sadd.s32 s4, s6;
	[dreg:$0x0] =	wrdreg $0x0  }
0xa9: {  	s6 =	sshll.u32 s28, $0x1;
	[dreg:$0x2] =	wrdreg s4  }
0xaa: {  	[dreg:$0x3] =	wrdreg s6  }
0xab: {  	[dreg:$0x4] =	wrdreg $0xC0  }
0xac: {  	_ =	task [dreg:s8], $0x5FFFF  }
0xad: {  	[dreg:$0x1] =	wrdreg $0xFFFFFFFF  }
0xae: {  	[dreg:$0x0] =	wrdreg $0x60  }
0xaf: {  	[dreg:$0x2] =	wrdreg s2  }
0xb0: {  	[dreg:$0x3] =	wrdreg s18  }
0xb1: {  	[dreg:$0x4] =	wrdreg s24  }
0xb2: {  	[dreg:$0x5] =	wrdreg $0x9  }
0xb3: {  	_ =	task.clear_ibuf [dreg:s8], $0x6FFFF;
	_ =	strace $0x90000046  }
0xb4: {  	s29 =	simm.s32 $0x9;
	_ =	strace $0x80000048  }
0xb5: {  	_ =	swait.ge [sflag:s29], $0x1  }
0xb6: {  	[sflag:s29] =	ssyncadd.s32 $0xFFFFFFFF  }
0xb7: {  	_ =	strace $0x90000048  }
0xb8: {  	_ =	sfence  }
0xb9: {  	s30 =	sld [smem:$0x0];
	_ =	sdelay $0x2  }
0xba: {  	s31 =	sshll.u32 s1, $0xD;
	s1 =	sshrl.u32 s1, $0x2  }
0xbb: {  	s3 =	sand.u32 $0x4000, s31;
	s1 =	sadd.s32 s1, s30  }
0xbc: {  	s0 =	sor.u32 s3, s0;
	s1 =	sshll.u32 s1, $0x11  }
0xbd: {  	s0 =	sor.u32 s1, s0  }
0xbe: {  	s0 =	sadd.s32 $0x8F2B, s0  }
0xbf: {  	[sflag:s0] =	ssyncadd.remote.s32 $0x1  }
0xc0: {  	_ =	sfence.sel $0xFFFF  }
0xc1: {  	[dreg:$0x0] =	wrdreg $0xFFFFFFFF;
	(pc) =	sbr.abs _section_cstart, $3  }
0xc2: {  	[dreg:$0x1] =	wrdreg $0xFFFFFFFF  }
0xc3: {  	_ =	task.clear_ibuf [dreg:s8], $0x2FFFF;
	_ =	strace $0x9FFFFFFF  }
0xc4: {  	(tm) =	ssettm $0x7FFFFFFF  }
0xc5: {  	_ =	shalt  }
tec
execute0_lowered:
.L_overlay_start_1:
0x0: {  	(tag) =	ssettag $0x1  }
0x1: {  	s0 =	rddreg [dreg:$0x0]  }
0x2: {  	s6 =	rddreg [dreg:$0x1]  }
0x3: {  	s5 =	rddreg [dreg:$0x2]  }
0x4: {  	s1 =	simm.s32 $0x0;
	s7 =	srdreg.scid;
	s2 =	stileid.u32  }
0x5: {  	s14 =	simm.s32 $0x1;
	s16 =	simm.s32 $0x2;
	s7 =	sand.u32 $0x1, s7  }
0x6: {  	s10 =	sshll.u32 s2, $0xA;
	s8 =	ssub.s32 $0x2, s7;
	s7 =	sshll.u32 s7, $0x9  }
0x7: {  	s18 =	simm.s32 $0x0;
	[smem:$0x7FF] =	sst s1;
	s7 =	sor.u32 s7, s10  }
0x8: {  	s3 =	sadd.s32 $0xF42C00, s5;
	s4 =	sadd.s32 $0x800, s5;
	s25 =	sshrl.u32 s7, $0x3  }
0x9: {  	s9 =	sadd.s32 $0x1E85200, s5;
	_ =	strace $0x80000047;
	s0 =	sadd.s32 s0, s25  }
0xa: {  	s10 =	sshll.u32 s7, $0x4;
	s26 =	sadd.s32 s6, s25;
	[dreg:$0x4] =	wrdreg s0  }
0xb: {  	s11 =	sadd.s32 $0x1EC5200, s5;
	s29 =	sadd.s32 s9, s10;
	[dreg:$0x5] =	wrdreg s26  }
0xc: {  	s24 =	sshrl.u32 s8, $0x1;
	s30 =	sadd.s32 s11, s10;
	[dreg:$0x6] =	wrdreg s29  }
0xd: {  	s12 =	ssub.s32 s8, s24;
	s28 =	sor.u32 $0x1000, s10;
	[dreg:$0x7] =	wrdreg s30  }
0xe: {  	s31 =	sadd.s32 s9, s28;
	s10 =	sadd.s32 s11, s28;
	s11 =	smax.u32 s12, $0x1  }
0xf: {  	s12 =	simm.s32 $0x3;
	s9 =	simm.s32 $0x200;
	[dreg:$0x8] =	wrdreg s31  }
.LBB2_1:
0x10: {  	s0 =	rddreg [dreg:$0x4]  }
0x11: {  	[tilespmem:s1], [sflag:$0x3] =	stream.linear.gather [hbm4b:s0+s1], $0x200, $0x38;
	[tilespmem:$0x10400] =	vst v63  }
0x12: {  	_ =	swait.ge [sflag:s12], $0x200  }
0x13: {  	[sflag:s12] =	ssyncset.done $0x0  }
0x14: {  	s2 =	simm.s32 $0x8200;
	s31 =	rddreg [dreg:$0x5];
	[sflag:s12] =	ssyncadd.s32 $0xFFFFFE00  }
0x15: {  	[tilespmem:s2], [sflag:$0x3] =	stream.linear.gather [hbm4b:s31+s1], $0x200, $0x38;
	[tilespmem:$0x10400] =	vst v63  }
0x16: {  	_ =	swait.ge [sflag:s12], $0x200  }
0x17: {  	[sflag:s12] =	ssyncset.done $0x0  }
0x18: {  	[sflag:s12] =	ssyncadd.s32 $0xFFFFFE00  }
0x19: {  	v0 =	vld [tilespmem:s1+$0x0];
	_ =	sdelay $0x4  }
0x1a: {  	v0 =	vshll.u32 v0, $0x4  }
0x1b: {  	(v2sf) =	vpush v0, $0x0  }
0x1c: {  	(v2sf) =	vpush v0, $0x1  }
0x1d: {  	(v2sf) =	vpush v0, $0x2;
	_ =	sdelay $0x1  }
0x1e: {  	(v2sf) =	vpush v0, $0x4;
	_ =	sdelay $0x1  }
0x1f: {  	(v2sf) =	vpush v0, $0x3  }
0x20: {  	(v2sf) =	vpush v0, $0x5  }
0x21: {  	s21 =	simm.s32 $0x2000;
	s20 =	simm.s32 $0x0;
	s22 =	simm.s32 $0x0;
	(v2sf) =	vpush v0, $0x6  }
.LBB2_2:
0x22: {  	p0 =	sne.s32 s21, $0x1E000  }
0x23: {  	s2 =	sadd.s32 $0x280, s20;
	s26 =	sadd.s32 $0x780, s20;
	s23 =	smov.u32 s21  }
0x24: {  	s21 =	sadd.s32 $0x2000, s21;
	s30 =	sadd.s32 $0x580, s20;
	s24 =	sadd.s32 $0x800, s20;
	(v2sf) =	vpush v0, $0x7  }
0x25: {  	s0 =	sadd.s32 $0x480, s20;
	s28 =	sadd.s32 $0x600, s20;
	s25 =	sadd.s32 $0x880, s20  }
0x26: {  	s13 =	sadd.s32 $0x200, s20;
	s15 =	sadd.s32 $0x400, s20;
	(v2sf) =	vpush v0, $0x8  }
0x27: {  	s19 =	simm.s32 $0x0;
	s17 =	sadd.s32 $0x500, s20;
	s22 =	sadd.s32 $0x10, s22  }
0x28: {  	s5 =	sadd.s32 $0x300, s20;
	s29 =	sadd.s32 $0x700, s20;
	s31 =	spop (v2sf);
	(v2sf) =	vpush v0, $0x9  }
0x29: {  	s6 =	sand.u32 $0x1FFFFFF0, s31;
	s31 =	sadd.s32 $0x680, s20;
	s7 =	spop (v2sf)  }
0x2a: {  	s6 =	sadd.s32 s3, s6;
	s7 =	sand.u32 $0x1FFFFFF0, s7;
	s8 =	spop (v2sf);
	(v2sf) =	vpush v0, $0xA  }
0x2b: {  	[tilespmem:s13], [sflag:$0x1] =	stream.linear.gather [hbm4b:s6+s19], $0x80, $0x38;
	[tilespmem:$0x10400] =	vst v63  }
0x2c: {  	s6 =	sadd.s32 s3, s7;
	s7 =	sadd.s32 $0x380, s20;
	s13 =	spop (v2sf);
	(v2sf) =	vpush v0, $0xB  }
0x2d: {  	[tilespmem:s2], [sflag:$0x1] =	stream.linear.gather [hbm4b:s6+s19], $0x80, $0x38;
	[tilespmem:$0x10400] =	vst v63  }
0x2e: {  	s2 =	sand.u32 $0x1FFFFFF0, s8;
	s6 =	sand.u32 $0x1FFFFFF0, s13;
	s8 =	spop (v2sf);
	(v2sf) =	vpush v0, $0xC  }
0x2f: {  	s2 =	sadd.s32 s3, s2;
	s8 =	sand.u32 $0x1FFFFFF0, s8;
	s13 =	spop (v2sf)  }
0x30: {  	[tilespmem:s5], [sflag:$0x1] =	stream.linear.gather [hbm4b:s2+s19], $0x80, $0x38;
	(v2sf) =	vpush v0, $0xD;
	[tilespmem:$0x10400] =	vst v63  }
0x31: {  	s2 =	sadd.s32 s3, s8;
	s5 =	sand.u32 $0x1FFFFFF0, s13;
	s8 =	spop (v2sf)  }
0x32: {  	[tilespmem:s7], [sflag:$0x1] =	stream.linear.gather [hbm4b:s2+s19], $0x80, $0x38;
	(v2sf) =	vpush v0, $0xE;
	[tilespmem:$0x10400] =	vst v63  }
0x33: {  	s2 =	sadd.s32 s3, s6;
	s6 =	sand.u32 $0x1FFFFFF0, s8;
	s7 =	spop (v2sf)  }
0x34: {  	[tilespmem:s15], [sflag:$0x1] =	stream.linear.gather [hbm4b:s2+s19], $0x80, $0x38;
	(v2sf) =	vpush v0, $0xF;
	[tilespmem:$0x10400] =	vst v63  }
0x35: {  	s2 =	sadd.s32 s3, s5;
	s5 =	sand.u32 $0x1FFFFFF0, s7;
	s7 =	spop (v2sf)  }
0x36: {  	[tilespmem:s0], [sflag:$0x1] =	stream.linear.gather [hbm4b:s2+s19], $0x80, $0x38;
	[tilespmem:$0x10400] =	vst v63  }
0x37: {  	s0 =	sadd.s32 s3, s6;
	s2 =	sand.u32 $0x1FFFFFF0, s7;
	s6 =	spop (v2sf)  }
0x38: {  	[tilespmem:s17], [sflag:$0x1] =	stream.linear.gather [hbm4b:s0+s19], $0x80, $0x38;
	[tilespmem:$0x10400] =	vst v63  }
0x39: {  	s0 =	sadd.s32 s3, s5;
	s5 =	sand.u32 $0x1FFFFFF0, s6;
	s6 =	spop (v2sf)  }
0x3a: {  	[tilespmem:s30], [sflag:$0x1] =	stream.linear.gather [hbm4b:s0+s19], $0x80, $0x38;
	[tilespmem:$0x10400] =	vst v63  }
0x3b: {  	s0 =	sadd.s32 s3, s2;
	s2 =	sand.u32 $0x1FFFFFF0, s6;
	s6 =	spop (v2sf)  }
0x3c: {  	[tilespmem:s28], [sflag:$0x1] =	stream.linear.gather [hbm4b:s0+s19], $0x80, $0x38;
	[tilespmem:$0x10400] =	vst v63  }
0x3d: {  	s0 =	sadd.s32 s3, s5;
	s5 =	sand.u32 $0x1FFFFFF0, s6;
	s6 =	spop (v2sf)  }
0x3e: {  	[tilespmem:s31], [sflag:$0x1] =	stream.linear.gather [hbm4b:s0+s19], $0x80, $0x38;
	[tilespmem:$0x10400] =	vst v63  }
0x3f: {  	s0 =	sadd.s32 s3, s2;
	s2 =	sand.u32 $0x1FFFFFF0, s6;
	s6 =	spop (v2sf)  }
0x40: {  	[tilespmem:s29], [sflag:$0x1] =	stream.linear.gather [hbm4b:s0+s19], $0x80, $0x38;
	[tilespmem:$0x10400] =	vst v63  }
0x41: {  	s0 =	sadd.s32 s3, s5;
	s5 =	sand.u32 $0x1FFFFFF0, s6;
	s6 =	spop (v2sf)  }
0x42: {  	[tilespmem:s26], [sflag:$0x1] =	stream.linear.gather [hbm4b:s0+s19], $0x80, $0x38;
	[tilespmem:$0x10400] =	vst v63  }
0x43: {  	s0 =	sadd.s32 s3, s2;
	s2 =	sand.u32 $0x1FFFFFF0, s6;
	s6 =	spop (v2sf)  }
0x44: {  	[tilespmem:s24], [sflag:$0x1] =	stream.linear.gather [hbm4b:s0+s19], $0x80, $0x38;
	[tilespmem:$0x10400] =	vst v63  }
0x45: {  	s0 =	sadd.s32 s3, s5;
	s5 =	sand.u32 $0x1FFFFFF0, s6  }
0x46: {  	[tilespmem:s25], [sflag:$0x1] =	stream.linear.gather [hbm4b:s0+s19], $0x80, $0x38;
	[tilespmem:$0x10400] =	vst v63  }
0x47: {  	s2 =	sadd.s32 s3, s2;
	s0 =	sadd.s32 $0x900, s20  }
0x48: {  	[tilespmem:s0], [sflag:$0x1] =	stream.linear.gather [hbm4b:s2+s19], $0x80, $0x38;
	[tilespmem:$0x10400] =	vst v63  }
0x49: {  	s0 =	sadd.s32 $0x980, s20;
	s2 =	sadd.s32 s3, s5  }
0x4a: {  	[tilespmem:s0], [sflag:$0x1] =	stream.linear.gather [hbm4b:s2+s19], $0x80, $0x38;
	[tilespmem:$0x10400] =	vst v63  }
0x4b: {  	v0 =	vld [tilespmem:s22+$0x0];
	_ =	sdelay $0x4  }
0x4c: {  	v0 =	vshll.u32 v0, $0x4  }
0x4d: {  	(v2sf) =	vpush v0, $0x0  }
0x4e: {  	(v2sf) =	vpush v0, $0x1  }
0x4f: {  	(v2sf) =	vpush v0, $0x2;
	_ =	sdelay $0x1  }
0x50: {  	(v2sf) =	vpush v0, $0x4  }
.Ltmp0:
0x51: {  	(pc) =	sbr.rel @p0 .LBB2_2-.Ltmp0, $3  }
0x52: {  	(v2sf) =	vpush v0, $0x3  }
0x53: {  	(v2sf) =	vpush v0, $0x5;
	_ =	sdelay $0x1  }
0x54: {  	s20 =	sshra.s32 s23, $0x2;
	(v2sf) =	vpush v0, $0x6  }
0x55: {  	_ =	sdelay $0x1  }
0x56: {  	s0 =	sadd.s32 $0x280, s20;
	s23 =	sadd.s32 $0x780, s20  }
0x57: {  	s2 =	sadd.s32 $0x580, s20;
	s21 =	sadd.s32 $0x800, s20;
	(v2sf) =	vpush v0, $0x7;
	s5 =	sadd.s32 $0x480, s20  }
0x58: {  	s6 =	sadd.s32 $0x600, s20;
	s22 =	sadd.s32 $0x880, s20;
	s7 =	sadd.s32 $0x200, s20  }
0x59: {  	s8 =	sadd.s32 $0x400, s20;
	s13 =	sadd.s32 $0x500, s20;
	(v2sf) =	vpush v0, $0x8;
	s15 =	spop (v2sf)  }
0x5a: {  	s17 =	sadd.s32 $0x300, s20;
	s15 =	sand.u32 $0x1FFFFFF0, s15;
	s24 =	spop (v2sf)  }
0x5b: {  	(v2sf) =	vpush v0, $0x9;
	s15 =	sadd.s32 s3, s15;
	s24 =	sand.u32 $0x1FFFFFF0, s24;
	s25 =	spop (v2sf)  }
0x5c: {  	[tilespmem:s7], [sflag:$0x1] =	stream.linear.gather [hbm4b:s15+s19], $0x80, $0x38;
	[tilespmem:$0x10400] =	vst v63  }
0x5d: {  	(v2sf) =	vpush v0, $0xA;
	s26 =	sadd.s32 s3, s24;
	s29 =	sand.u32 $0x1FFFFFF0, s25;
	s28 =	spop (v2sf)  }
0x5e: {  	[tilespmem:s0], [sflag:$0x1] =	stream.linear.gather [hbm4b:s26+s19], $0x80, $0x38;
	[tilespmem:$0x10400] =	vst v63  }
0x5f: {  	s7 =	sadd.s32 $0x700, s20;
	(v2sf) =	vpush v0, $0xB;
	s15 =	sadd.s32 s3, s29;
	s30 =	spop (v2sf)  }
0x60: {  	s0 =	sadd.s32 $0x680, s20;
	s26 =	sadd.s32 $0x380, s20;
	s25 =	sand.u32 $0x1FFFFFF0, s30  }
0x61: {  	(v2sf) =	vpush v0, $0xC;
	[tilespmem:s17], [sflag:$0x1] =	stream.linear.gather [hbm4b:s15+s19], $0x80, $0x38;
	[tilespmem:$0x10400] =	vst v63  }
0x62: {  	s31 =	sand.u32 $0x1FFFFFF0, s28;
	s28 =	spop (v2sf);
	s29 =	sadd.s32 s3, s25  }
0x63: {  	(v2sf) =	vpush v0, $0xD;
	[tilespmem:s26], [sflag:$0x1] =	stream.linear.gather [hbm4b:s29+s19], $0x80, $0x38;
	[tilespmem:$0x10400] =	vst v63  }
0x64: {  	s15 =	sadd.s32 s3, s31;
	s17 =	sand.u32 $0x1FFFFFF0, s28;
	s30 =	spop (v2sf)  }
0x65: {  	(v2sf) =	vpush v0, $0xE;
	[tilespmem:s8], [sflag:$0x1] =	stream.linear.gather [hbm4b:s15+s19], $0x80, $0x38;
	[tilespmem:$0x10400] =	vst v63  }
0x66: {  	s17 =	sadd.s32 s3, s17;
	s31 =	sand.u32 $0x1FFFFFF0, s30;
	s24 =	spop (v2sf)  }
0x67: {  	(v2sf) =	vpush v0, $0xF;
	[tilespmem:s5], [sflag:$0x1] =	stream.linear.gather [hbm4b:s17+s19], $0x80, $0x38;
	[tilespmem:$0x10400] =	vst v63  }
0x68: {  	s25 =	sand.u32 $0x1FFFFFF0, s24;
	s26 =	spop (v2sf);
	s8 =	sadd.s32 s3, s31  }
0x69: {  	[tilespmem:s13], [sflag:$0x1] =	stream.linear.gather [hbm4b:s8+s19], $0x80, $0x38;
	[tilespmem:$0x10400] =	vst v63  }
0x6a: {  	s28 =	sand.u32 $0x1FFFFFF0, s26;
	s5 =	sadd.s32 s3, s25;
	s29 =	spop (v2sf)  }
0x6b: {  	[tilespmem:s2], [sflag:$0x1] =	stream.linear.gather [hbm4b:s5+s19], $0x80, $0x38;
	[tilespmem:$0x10400] =	vst v63  }
0x6c: {  	s8 =	sadd.s32 s3, s28;
	s30 =	sand.u32 $0x1FFFFFF0, s29;
	s31 =	spop (v2sf)  }
0x6d: {  	[tilespmem:s6], [sflag:$0x1] =	stream.linear.gather [hbm4b:s8+s19], $0x80, $0x38;
	[tilespmem:$0x10400] =	vst v63  }
0x6e: {  	s5 =	sand.u32 $0x1FFFFFF0, s31;
	s2 =	sadd.s32 s3, s30;
	s8 =	spop (v2sf)  }
0x6f: {  	[tilespmem:s0], [sflag:$0x1] =	stream.linear.gather [hbm4b:s2+s19], $0x80, $0x38;
	[tilespmem:$0x10400] =	vst v63  }
0x70: {  	s5 =	sadd.s32 s3, s5;
	s13 =	sand.u32 $0x1FFFFFF0, s8;
	s15 =	spop (v2sf)  }
0x71: {  	[tilespmem:s7], [sflag:$0x1] =	stream.linear.gather [hbm4b:s5+s19], $0x80, $0x38;
	[tilespmem:$0x10400] =	vst v63  }
0x72: {  	s0 =	sadd.s32 s3, s13;
	s2 =	sand.u32 $0x1FFFFFF0, s15;
	s17 =	spop (v2sf)  }
0x73: {  	[tilespmem:s23], [sflag:$0x1] =	stream.linear.gather [hbm4b:s0+s19], $0x80, $0x38;
	[tilespmem:$0x10400] =	vst v63  }
0x74: {  	s24 =	sand.u32 $0x1FFFFFF0, s17;
	s2 =	sadd.s32 s3, s2;
	s25 =	spop (v2sf)  }
0x75: {  	[tilespmem:s21], [sflag:$0x1] =	stream.linear.gather [hbm4b:s2+s19], $0x80, $0x38;
	[tilespmem:$0x10400] =	vst v63  }
0x76: {  	s26 =	sand.u32 $0x1FFFFFF0, s25;
	s28 =	spop (v2sf);
	s0 =	sadd.s32 s3, s24  }
0x77: {  	[tilespmem:s22], [sflag:$0x1] =	stream.linear.gather [hbm4b:s0+s19], $0x80, $0x38;
	[tilespmem:$0x10400] =	vst v63  }
0x78: {  	s30 =	sadd.s32 $0x900, s20;
	s29 =	sand.u32 $0x1FFFFFF0, s28;
	s2 =	sadd.s32 s3, s26  }
0x79: {  	[tilespmem:s30], [sflag:$0x1] =	stream.linear.gather [hbm4b:s2+s19], $0x80, $0x38;
	[tilespmem:$0x10400] =	vst v63  }
0x7a: {  	s31 =	sadd.s32 $0x980, s20;
	s20 =	simm.s32 $0x8200;
	s0 =	sadd.s32 s3, s29  }
0x7b: {  	[tilespmem:s31], [sflag:$0x1] =	stream.linear.gather [hbm4b:s0+s19], $0x80, $0x38;
	[tilespmem:$0x10400] =	vst v63  }
0x7c: {  	v0 =	vld [tilespmem:s20+$0x0];
	_ =	sdelay $0x4  }
0x7d: {  	v0 =	vshll.u32 v0, $0x4  }
0x7e: {  	(v2sf) =	vpush v0, $0x0  }
0x7f: {  	(v2sf) =	vpush v0, $0x1  }
0x80: {  	(v2sf) =	vpush v0, $0x2;
	_ =	sdelay $0x1  }
0x81: {  	(v2sf) =	vpush v0, $0x4;
	_ =	sdelay $0x1  }
0x82: {  	(v2sf) =	vpush v0, $0x3  }
0x83: {  	(v2sf) =	vpush v0, $0x5  }
0x84: {  	s21 =	simm.s32 $0x2000;
	s19 =	simm.s32 $0x0;
	(v2sf) =	vpush v0, $0x6  }
.LBB2_4:
0x85: {  	p0 =	sne.s32 s21, $0x1E000  }
0x86: {  	s2 =	sadd.s32 $0x8480, s19;
	s25 =	sadd.s32 $0x8980, s19;
	s22 =	smov.u32 s21  }
0x87: {  	s21 =	sadd.s32 $0x2000, s21;
	s29 =	sadd.s32 $0x8780, s19;
	s23 =	sadd.s32 $0x8A00, s19;
	(v2sf) =	vpush v0, $0x7  }
0x88: {  	s0 =	sadd.s32 $0x8680, s19;
	s28 =	sadd.s32 $0x8800, s19;
	s24 =	sadd.s32 $0x8A80, s19  }
0x89: {  	s5 =	sadd.s32 $0x8400, s19;
	s6 =	sadd.s32 $0x8600, s19;
	(v2sf) =	vpush v0, $0x8  }
0x8a: {  	s7 =	sadd.s32 $0x8700, s19;
	s20 =	sadd.s32 $0x10, s20  }
0x8b: {  	s8 =	sadd.s32 $0x8500, s19;
	s26 =	sadd.s32 $0x8900, s19;
	s13 =	spop (v2sf);
	(v2sf) =	vpush v0, $0x9  }
0x8c: {  	s30 =	sadd.s32 $0x8880, s19;
	s13 =	sand.u32 $0x1FFFFFF0, s13;
	s15 =	spop (v2sf)  }
0x8d: {  	s13 =	sadd.s32 s4, s13;
	s15 =	sand.u32 $0x1FFFFFF0, s15;
	s17 =	spop (v2sf);
	(v2sf) =	vpush v0, $0xA  }
0x8e: {  	[tilespmem:s5], [sflag:$0x2] =	stream.linear.gather [hbm4b:s13+s1], $0x80, $0x38;
	[tilespmem:$0x10400] =	vst v63  }
0x8f: {  	s5 =	sadd.s32 s4, s15;
	s13 =	sadd.s32 $0x8580, s19;
	s15 =	spop (v2sf);
	(v2sf) =	vpush v0, $0xB  }
0x90: {  	[tilespmem:s2], [sflag:$0x2] =	stream.linear.gather [hbm4b:s5+s1], $0x80, $0x38;
	[tilespmem:$0x10400] =	vst v63  }
0x91: {  	s2 =	sand.u32 $0x1FFFFFF0, s17;
	s5 =	sand.u32 $0x1FFFFFF0, s15;
	s15 =	spop (v2sf);
	(v2sf) =	vpush v0, $0xC  }
0x92: {  	s2 =	sadd.s32 s4, s2;
	s15 =	sand.u32 $0x1FFFFFF0, s15;
	s17 =	spop (v2sf)  }
0x93: {  	[tilespmem:s8], [sflag:$0x2] =	stream.linear.gather [hbm4b:s2+s1], $0x80, $0x38;
	(v2sf) =	vpush v0, $0xD;
	[tilespmem:$0x10400] =	vst v63  }
0x94: {  	s2 =	sadd.s32 s4, s15;
	s8 =	sand.u32 $0x1FFFFFF0, s17;
	s15 =	spop (v2sf)  }
0x95: {  	[tilespmem:s13], [sflag:$0x2] =	stream.linear.gather [hbm4b:s2+s1], $0x80, $0x38;
	(v2sf) =	vpush v0, $0xE;
	[tilespmem:$0x10400] =	vst v63  }
0x96: {  	s2 =	sadd.s32 s4, s5;
	s5 =	sand.u32 $0x1FFFFFF0, s15;
	s13 =	spop (v2sf)  }
0x97: {  	[tilespmem:s6], [sflag:$0x2] =	stream.linear.gather [hbm4b:s2+s1], $0x80, $0x38;
	(v2sf) =	vpush v0, $0xF;
	[tilespmem:$0x10400] =	vst v63  }
0x98: {  	s2 =	sadd.s32 s4, s8;
	s6 =	sand.u32 $0x1FFFFFF0, s13;
	s8 =	spop (v2sf)  }
0x99: {  	[tilespmem:s0], [sflag:$0x2] =	stream.linear.gather [hbm4b:s2+s1], $0x80, $0x38;
	[tilespmem:$0x10400] =	vst v63  }
0x9a: {  	s0 =	sadd.s32 s4, s5;
	s2 =	sand.u32 $0x1FFFFFF0, s8;
	s5 =	spop (v2sf)  }
0x9b: {  	[tilespmem:s7], [sflag:$0x2] =	stream.linear.gather [hbm4b:s0+s1], $0x80, $0x38;
	[tilespmem:$0x10400] =	vst v63  }
0x9c: {  	s0 =	sadd.s32 s4, s6;
	s5 =	sand.u32 $0x1FFFFFF0, s5;
	s6 =	spop (v2sf)  }
0x9d: {  	[tilespmem:s29], [sflag:$0x2] =	stream.linear.gather [hbm4b:s0+s1], $0x80, $0x38;
	[tilespmem:$0x10400] =	vst v63  }
0x9e: {  	s0 =	sadd.s32 s4, s2;
	s2 =	sand.u32 $0x1FFFFFF0, s6;
	s6 =	spop (v2sf)  }
0x9f: {  	[tilespmem:s28], [sflag:$0x2] =	stream.linear.gather [hbm4b:s0+s1], $0x80, $0x38;
	[tilespmem:$0x10400] =	vst v63  }
0xa0: {  	s0 =	sadd.s32 s4, s5;
	s5 =	sand.u32 $0x1FFFFFF0, s6;
	s6 =	spop (v2sf)  }
0xa1: {  	[tilespmem:s30], [sflag:$0x2] =	stream.linear.gather [hbm4b:s0+s1], $0x80, $0x38;
	[tilespmem:$0x10400] =	vst v63  }
0xa2: {  	s0 =	sadd.s32 s4, s2;
	s2 =	sand.u32 $0x1FFFFFF0, s6;
	s6 =	spop (v2sf)  }
0xa3: {  	[tilespmem:s26], [sflag:$0x2] =	stream.linear.gather [hbm4b:s0+s1], $0x80, $0x38;
	[tilespmem:$0x10400] =	vst v63  }
0xa4: {  	s0 =	sadd.s32 s4, s5;
	s5 =	sand.u32 $0x1FFFFFF0, s6;
	s6 =	spop (v2sf)  }
0xa5: {  	[tilespmem:s25], [sflag:$0x2] =	stream.linear.gather [hbm4b:s0+s1], $0x80, $0x38;
	[tilespmem:$0x10400] =	vst v63  }
0xa6: {  	s0 =	sadd.s32 s4, s2;
	s2 =	sand.u32 $0x1FFFFFF0, s6;
	s6 =	spop (v2sf)  }
0xa7: {  	[tilespmem:s23], [sflag:$0x2] =	stream.linear.gather [hbm4b:s0+s1], $0x80, $0x38;
	[tilespmem:$0x10400] =	vst v63  }
0xa8: {  	s0 =	sadd.s32 s4, s5;
	s5 =	sand.u32 $0x1FFFFFF0, s6  }
0xa9: {  	[tilespmem:s24], [sflag:$0x2] =	stream.linear.gather [hbm4b:s0+s1], $0x80, $0x38;
	[tilespmem:$0x10400] =	vst v63  }
0xaa: {  	s2 =	sadd.s32 s4, s2;
	s0 =	sadd.s32 $0x8B00, s19  }
0xab: {  	[tilespmem:s0], [sflag:$0x2] =	stream.linear.gather [hbm4b:s2+s1], $0x80, $0x38;
	[tilespmem:$0x10400] =	vst v63  }
0xac: {  	s0 =	sadd.s32 $0x8B80, s19;
	s2 =	sadd.s32 s4, s5  }
0xad: {  	[tilespmem:s0], [sflag:$0x2] =	stream.linear.gather [hbm4b:s2+s1], $0x80, $0x38;
	[tilespmem:$0x10400] =	vst v63  }
0xae: {  	v0 =	vld [tilespmem:s20+$0x0];
	_ =	sdelay $0x4  }
0xaf: {  	v0 =	vshll.u32 v0, $0x4  }
0xb0: {  	(v2sf) =	vpush v0, $0x0  }
0xb1: {  	(v2sf) =	vpush v0, $0x1  }
0xb2: {  	(v2sf) =	vpush v0, $0x2;
	_ =	sdelay $0x1  }
0xb3: {  	(v2sf) =	vpush v0, $0x4  }
.Ltmp1:
0xb4: {  	(pc) =	sbr.rel @p0 .LBB2_4-.Ltmp1, $3  }
0xb5: {  	(v2sf) =	vpush v0, $0x3  }
0xb6: {  	(v2sf) =	vpush v0, $0x5;
	_ =	sdelay $0x1  }
0xb7: {  	s19 =	sshra.s32 s22, $0x2;
	(v2sf) =	vpush v0, $0x6  }
0xb8: {  	_ =	sdelay $0x1  }
0xb9: {  	s0 =	sadd.s32 $0x8480, s19;
	s22 =	sadd.s32 $0x8980, s19  }
0xba: {  	s2 =	sadd.s32 $0x8780, s19;
	s20 =	sadd.s32 $0x8A00, s19;
	(v2sf) =	vpush v0, $0x7;
	s5 =	sadd.s32 $0x8680, s19  }
0xbb: {  	s6 =	sadd.s32 $0x8800, s19;
	s21 =	sadd.s32 $0x8A80, s19;
	s7 =	sadd.s32 $0x8400, s19  }
0xbc: {  	s8 =	sadd.s32 $0x8600, s19;
	s13 =	sadd.s32 $0x8700, s19;
	(v2sf) =	vpush v0, $0x8;
	s15 =	spop (v2sf)  }
0xbd: {  	s17 =	sadd.s32 $0x8500, s19;
	s15 =	sand.u32 $0x1FFFFFF0, s15;
	s23 =	spop (v2sf)  }
0xbe: {  	(v2sf) =	vpush v0, $0x9;
	s15 =	sadd.s32 s4, s15;
	s23 =	sand.u32 $0x1FFFFFF0, s23;
	s24 =	spop (v2sf)  }
0xbf: {  	[tilespmem:s7], [sflag:$0x2] =	stream.linear.gather [hbm4b:s15+s1], $0x80, $0x38;
	[tilespmem:$0x10400] =	vst v63  }
0xc0: {  	s25 =	sadd.s32 $0x8580, s19;
	(v2sf) =	vpush v0, $0xA;
	s30 =	sadd.s32 s4, s23;
	s31 =	spop (v2sf)  }
0xc1: {  	[tilespmem:s0], [sflag:$0x2] =	stream.linear.gather [hbm4b:s30+s1], $0x80, $0x38;
	[tilespmem:$0x10400] =	vst v63  }
0xc2: {  	s7 =	sadd.s32 $0x8900, s19;
	s24 =	sand.u32 $0x1FFFFFF0, s24;
	(v2sf) =	vpush v0, $0xB;
	s26 =	spop (v2sf)  }
0xc3: {  	s15 =	sadd.s32 s4, s24;
	s0 =	sadd.s32 $0x8880, s19;
	s24 =	sand.u32 $0x1FFFFFF0, s26  }
0xc4: {  	(v2sf) =	vpush v0, $0xC;
	[tilespmem:s17], [sflag:$0x2] =	stream.linear.gather [hbm4b:s15+s1], $0x80, $0x38;
	[tilespmem:$0x10400] =	vst v63  }
0xc5: {  	s28 =	sand.u32 $0x1FFFFFF0, s31;
	s29 =	spop (v2sf);
	s30 =	sadd.s32 s4, s24  }
0xc6: {  	(v2sf) =	vpush v0, $0xD;
	[tilespmem:s25], [sflag:$0x2] =	stream.linear.gather [hbm4b:s30+s1], $0x80, $0x38;
	[tilespmem:$0x10400] =	vst v63  }
0xc7: {  	s15 =	sadd.s32 s4, s28;
	s17 =	sand.u32 $0x1FFFFFF0, s29;
	s31 =	spop (v2sf)  }
0xc8: {  	(v2sf) =	vpush v0, $0xE;
	[tilespmem:s8], [sflag:$0x2] =	stream.linear.gather [hbm4b:s15+s1], $0x80, $0x38;
	[tilespmem:$0x10400] =	vst v63  }
0xc9: {  	s17 =	sadd.s32 s4, s17;
	s23 =	sand.u32 $0x1FFFFFF0, s31;
	s24 =	spop (v2sf)  }
0xca: {  	(v2sf) =	vpush v0, $0xF;
	[tilespmem:s5], [sflag:$0x2] =	stream.linear.gather [hbm4b:s17+s1], $0x80, $0x38;
	[tilespmem:$0x10400] =	vst v63  }
0xcb: {  	s25 =	sand.u32 $0x1FFFFFF0, s24;
	s26 =	spop (v2sf);
	s8 =	sadd.s32 s4, s23  }
0xcc: {  	[tilespmem:s13], [sflag:$0x2] =	stream.linear.gather [hbm4b:s8+s1], $0x80, $0x38;
	[tilespmem:$0x10400] =	vst v63  }
0xcd: {  	s28 =	sand.u32 $0x1FFFFFF0, s26;
	s5 =	sadd.s32 s4, s25;
	s29 =	spop (v2sf)  }
0xce: {  	[tilespmem:s2], [sflag:$0x2] =	stream.linear.gather [hbm4b:s5+s1], $0x80, $0x38;
	[tilespmem:$0x10400] =	vst v63  }
0xcf: {  	s8 =	sadd.s32 s4, s28;
	s30 =	sand.u32 $0x1FFFFFF0, s29;
	s31 =	spop (v2sf)  }
0xd0: {  	[tilespmem:s6], [sflag:$0x2] =	stream.linear.gather [hbm4b:s8+s1], $0x80, $0x38;
	[tilespmem:$0x10400] =	vst v63  }
0xd1: {  	s5 =	sand.u32 $0x1FFFFFF0, s31;
	s2 =	sadd.s32 s4, s30;
	s13 =	spop (v2sf)  }
0xd2: {  	[tilespmem:s0], [sflag:$0x2] =	stream.linear.gather [hbm4b:s2+s1], $0x80, $0x38;
	[tilespmem:$0x10400] =	vst v63  }
0xd3: {  	s5 =	sadd.s32 s4, s5;
	s15 =	sand.u32 $0x1FFFFFF0, s13;
	s17 =	spop (v2sf)  }
0xd4: {  	[tilespmem:s7], [sflag:$0x2] =	stream.linear.gather [hbm4b:s5+s1], $0x80, $0x38;
	[tilespmem:$0x10400] =	vst v63  }
0xd5: {  	s0 =	sadd.s32 s4, s15;
	s2 =	sand.u32 $0x1FFFFFF0, s17;
	s23 =	spop (v2sf)  }
0xd6: {  	[tilespmem:s22], [sflag:$0x2] =	stream.linear.gather [hbm4b:s0+s1], $0x80, $0x38;
	[tilespmem:$0x10400] =	vst v63  }
0xd7: {  	s24 =	sand.u32 $0x1FFFFFF0, s23;
	s2 =	sadd.s32 s4, s2;
	s25 =	spop (v2sf)  }
0xd8: {  	[tilespmem:s20], [sflag:$0x2] =	stream.linear.gather [hbm4b:s2+s1], $0x80, $0x38;
	[tilespmem:$0x10400] =	vst v63  }
0xd9: {  	s26 =	sand.u32 $0x1FFFFFF0, s25;
	s28 =	spop (v2sf);
	s0 =	sadd.s32 s4, s24  }
0xda: {  	[tilespmem:s21], [sflag:$0x2] =	stream.linear.gather [hbm4b:s0+s1], $0x80, $0x38;
	[tilespmem:$0x10400] =	vst v63  }
0xdb: {  	s30 =	sadd.s32 $0x8B00, s19;
	s29 =	sand.u32 $0x1FFFFFF0, s28;
	s2 =	sadd.s32 s4, s26  }
0xdc: {  	[tilespmem:s30], [sflag:$0x2] =	stream.linear.gather [hbm4b:s2+s1], $0x80, $0x38;
	[tilespmem:$0x10400] =	vst v63  }
0xdd: {  	s31 =	sadd.s32 $0x8B80, s19;
	s0 =	sadd.s32 s4, s29  }
0xde: {  	[tilespmem:s31], [sflag:$0x2] =	stream.linear.gather [hbm4b:s0+s1], $0x80, $0x38;
	[tilespmem:$0x10400] =	vst v63  }
0xdf: {  	_ =	swait.ge [sflag:s14], $0x80  }
0xe0: {  	s0 =	simm.s32 $0xFF;
	[sflag:s14] =	ssyncset.done $0x0  }
.LBB2_6:
0xe1: {  	p0 =	sne.s32 s0, $0x1;
	s0 =	sadd.s32 $0xFFFFFFFF, s0;
	[sflag:s14] =	ssyncadd.s32 $0xFFFFFF80  }
.Ltmp2:
0xe2: {  	(pc) =	sbr.rel @p0 .LBB2_6-.Ltmp2, $3  }
0xe3: {  	_ =	sdelay $0x1  }
0xe4: {  	_ =	swait.ge [sflag:s14], $0x80  }
0xe5: {  	[sflag:s14] =	ssyncset.done $0x0  }
0xe6: {  	[sflag:s14] =	ssyncadd.s32 $0xFFFFFF80;
	s0 =	rddreg [dreg:$0x6]  }
0xe7: {  	[hbm4b:s0+s1] =	stream.linear.scatter [tilespmem:s9], [sflag:$0x3], $0x8000, $0x38;
	[tilespmem:$0x10400] =	vst v63  }
0xe8: {  	_ =	swait.ge [sflag:s12], $0x8000  }
0xe9: {  	[sflag:s12] =	ssyncset.done $0x0  }
0xea: {  	[sflag:s12] =	ssyncadd.s32 $0xFFFF8000  }
0xeb: {  	_ =	swait.ge [sflag:s16], $0x80  }
0xec: {  	s0 =	simm.s32 $0xFF;
	[sflag:s16] =	ssyncset.done $0x0  }
.LBB2_8:
0xed: {  	p0 =	sne.s32 s0, $0x1;
	s0 =	sadd.s32 $0xFFFFFFFF, s0;
	[sflag:s16] =	ssyncadd.s32 $0xFFFFFF80  }
.Ltmp3:
0xee: {  	(pc) =	sbr.rel @p0 .LBB2_8-.Ltmp3, $3  }
0xef: {  	_ =	sdelay $0x1  }
0xf0: {  	_ =	swait.ge [sflag:s16], $0x80  }
0xf1: {  	[sflag:s16] =	ssyncset.done $0x0  }
0xf2: {  	[sflag:s16] =	ssyncadd.s32 $0xFFFFFF80  }
0xf3: {  	s19 =	simm.s32 $0x0;
	s0 =	rddreg [dreg:$0x7];
	s2 =	simm.s32 $0x8400  }
0xf4: {  	[hbm4b:s0+s19] =	stream.linear.scatter [tilespmem:s2], [sflag:$0x3], $0x8000, $0x38;
	[tilespmem:$0x10400] =	vst v63  }
0xf5: {  	_ =	swait.ge [sflag:s12], $0x8000  }
0xf6: {  	[sflag:s12] =	ssyncset.done $0x0  }
0xf7: {  	s20 =	sand.u32 $0xF0, s19;
	[sflag:s12] =	ssyncadd.s32 $0xFFFF8000  }
0xf8: {  	v0 =	vld [tilespmem:s20+$0x100];
	_ =	sdelay $0x4  }
0xf9: {  	v0 =	vshll.u32 v0, $0x4  }
0xfa: {  	(v2sf) =	vpush v0, $0x0  }
0xfb: {  	(v2sf) =	vpush v0, $0x2  }
0xfc: {  	(v2sf) =	vpush v0, $0x1;
	_ =	sdelay $0x1  }
0xfd: {  	(v2sf) =	vpush v0, $0x3  }
0xfe: {  	(v2sf) =	vpush v0, $0x4;
	_ =	sdelay $0x2  }
0xff: {  	s21 =	simm.s32 $0x2000;
	s23 =	simm.s32 $0x10;
	s22 =	simm.s32 $0x0  }
.LBB2_10:
0x100: {  	p0 =	sne.s32 s21, $0x1E000;
	(v2sf) =	vpush v0, $0x5;
	s0 =	smov.u32 s21;
	s21 =	sadd.s32 $0x2000, s21  }
0x101: {  	s24 =	sshra.s32 s22, $0x2;
	s22 =	smov.u32 s0  }
0x102: {  	s2 =	sadd.s32 $0x280, s24;
	(v2sf) =	vpush v0, $0x6  }
0x103: {  	s5 =	sadd.s32 $0x200, s24  }
0x104: {  	s28 =	sadd.s32 $0x780, s24;
	s26 =	sadd.s32 $0x800, s24;
	s25 =	sadd.s32 $0x880, s24;
	(v2sf) =	vpush v0, $0x7  }
0x105: {  	s31 =	sadd.s32 $0x600, s24;
	s30 =	sadd.s32 $0x680, s24;
	s29 =	sadd.s32 $0x700, s24  }
0x106: {  	s6 =	sadd.s32 $0x500, s24;
	s0 =	sadd.s32 $0x580, s24;
	s7 =	spop (v2sf);
	(v2sf) =	vpush v0, $0x8  }
0x107: {  	s8 =	sadd.s32 $0x300, s24;
	s7 =	sand.u32 $0x1FFFFFF0, s7;
	s13 =	spop (v2sf)  }
0x108: {  	s15 =	sadd.s32 $0x480, s24;
	s7 =	sadd.s32 s3, s7;
	s17 =	spop (v2sf);
	(v2sf) =	vpush v0, $0x9  }
0x109: {  	[tilespmem:s5], [sflag:$0x1] =	stream.linear.gather [hbm4b:s7+s19], $0x80, $0x38;
	[tilespmem:$0x10400] =	vst v63  }
0x10a: {  	s5 =	sand.u32 $0x1FFFFFF0, s17;
	s7 =	sand.u32 $0x1FFFFFF0, s13;
	s13 =	spop (v2sf);
	(v2sf) =	vpush v0, $0xA  }
0x10b: {  	s17 =	sadd.s32 $0x400, s24;
	s5 =	sadd.s32 s3, s5;
	s9 =	spop (v2sf)  }
0x10c: {  	[tilespmem:s2], [sflag:$0x1] =	stream.linear.gather [hbm4b:s5+s19], $0x80, $0x38;
	(v2sf) =	vpush v0, $0xB;
	[tilespmem:$0x10400] =	vst v63  }
0x10d: {  	s2 =	sadd.s32 s3, s7;
	s5 =	sand.u32 $0x1FFFFFF0, s13;
	s7 =	sand.u32 $0x1FFFFFF0, s9  }
0x10e: {  	[tilespmem:s8], [sflag:$0x1] =	stream.linear.gather [hbm4b:s2+s19], $0x80, $0x38;
	(v2sf) =	vpush v0, $0xC;
	[tilespmem:$0x10400] =	vst v63  }
0x10f: {  	s5 =	sadd.s32 s3, s5;
	s2 =	sadd.s32 $0x380, s24;
	s8 =	spop (v2sf)  }
0x110: {  	[tilespmem:s2], [sflag:$0x1] =	stream.linear.gather [hbm4b:s5+s19], $0x80, $0x38;
	(v2sf) =	vpush v0, $0xD;
	[tilespmem:$0x10400] =	vst v63  }
0x111: {  	s2 =	sadd.s32 s3, s7;
	s5 =	sand.u32 $0x1FFFFFF0, s8;
	s7 =	spop (v2sf)  }
0x112: {  	[tilespmem:s17], [sflag:$0x1] =	stream.linear.gather [hbm4b:s2+s19], $0x80, $0x38;
	(v2sf) =	vpush v0, $0xE;
	[tilespmem:$0x10400] =	vst v63  }
0x113: {  	s2 =	sadd.s32 s3, s5;
	s5 =	sand.u32 $0x1FFFFFF0, s7;
	s7 =	spop (v2sf)  }
0x114: {  	[tilespmem:s15], [sflag:$0x1] =	stream.linear.gather [hbm4b:s2+s19], $0x80, $0x38;
	(v2sf) =	vpush v0, $0xF;
	[tilespmem:$0x10400] =	vst v63  }
0x115: {  	s2 =	sadd.s32 s3, s5;
	s5 =	sand.u32 $0x1FFFFFF0, s7;
	s7 =	spop (v2sf)  }
0x116: {  	[tilespmem:s6], [sflag:$0x1] =	stream.linear.gather [hbm4b:s2+s19], $0x80, $0x38;
	[tilespmem:$0x10400] =	vst v63  }
0x117: {  	s2 =	sadd.s32 s3, s5;
	s5 =	sand.u32 $0x1FFFFFF0, s7;
	s6 =	spop (v2sf)  }
0x118: {  	[tilespmem:s0], [sflag:$0x1] =	stream.linear.gather [hbm4b:s2+s19], $0x80, $0x38;
	[tilespmem:$0x10400] =	vst v63  }
0x119: {  	s0 =	sadd.s32 s3, s5;
	s2 =	sand.u32 $0x1FFFFFF0, s6;
	s5 =	spop (v2sf)  }
0x11a: {  	[tilespmem:s31], [sflag:$0x1] =	stream.linear.gather [hbm4b:s0+s19], $0x80, $0x38;
	[tilespmem:$0x10400] =	vst v63  }
0x11b: {  	s0 =	sadd.s32 s3, s2;
	s2 =	sand.u32 $0x1FFFFFF0, s5;
	s5 =	spop (v2sf)  }
0x11c: {  	[tilespmem:s30], [sflag:$0x1] =	stream.linear.gather [hbm4b:s0+s19], $0x80, $0x38;
	[tilespmem:$0x10400] =	vst v63  }
0x11d: {  	s0 =	sadd.s32 s3, s2;
	s2 =	sand.u32 $0x1FFFFFF0, s5;
	s5 =	spop (v2sf)  }
0x11e: {  	[tilespmem:s29], [sflag:$0x1] =	stream.linear.gather [hbm4b:s0+s19], $0x80, $0x38;
	[tilespmem:$0x10400] =	vst v63  }
0x11f: {  	s0 =	sadd.s32 s3, s2;
	s2 =	sand.u32 $0x1FFFFFF0, s5;
	s5 =	spop (v2sf)  }
0x120: {  	[tilespmem:s28], [sflag:$0x1] =	stream.linear.gather [hbm4b:s0+s19], $0x80, $0x38;
	[tilespmem:$0x10400] =	vst v63  }
0x121: {  	s0 =	sadd.s32 s3, s2;
	s2 =	sand.u32 $0x1FFFFFF0, s5;
	s5 =	spop (v2sf)  }
0x122: {  	[tilespmem:s26], [sflag:$0x1] =	stream.linear.gather [hbm4b:s0+s19], $0x80, $0x38;
	[tilespmem:$0x10400] =	vst v63  }
0x123: {  	s0 =	sadd.s32 s3, s2;
	s2 =	sand.u32 $0x1FFFFFF0, s5;
	s5 =	spop (v2sf)  }
0x124: {  	[tilespmem:s25], [sflag:$0x1] =	stream.linear.gather [hbm4b:s0+s19], $0x80, $0x38;
	[tilespmem:$0x10400] =	vst v63  }
0x125: {  	s2 =	sadd.s32 s3, s2;
	s0 =	sadd.s32 $0x900, s24;
	s5 =	sand.u32 $0x1FFFFFF0, s5  }
0x126: {  	[tilespmem:s0], [sflag:$0x1] =	stream.linear.gather [hbm4b:s2+s19], $0x80, $0x38;
	[tilespmem:$0x10400] =	vst v63  }
0x127: {  	s5 =	sadd.s32 s3, s5;
	s0 =	sand.u32 $0xF0, s23;
	s2 =	sadd.s32 $0x980, s24  }
0x128: {  	[tilespmem:s2], [sflag:$0x1] =	stream.linear.gather [hbm4b:s5+s19], $0x80, $0x38;
	[tilespmem:$0x10400] =	vst v63  }
0x129: {  	v0 =	vld [tilespmem:s0+$0x100];
	_ =	sdelay $0x4  }
0x12a: {  	v0 =	vshll.u32 v0, $0x4  }
0x12b: {  	(v2sf) =	vpush v0, $0x0  }
0x12c: {  	(v2sf) =	vpush v0, $0x2  }
0x12d: {  	(v2sf) =	vpush v0, $0x1;
	_ =	sdelay $0x1  }
.Ltmp4:
0x12e: {  	(v2sf) =	vpush v0, $0x3;
	(pc) =	sbr.rel @p0 .LBB2_10-.Ltmp4, $2  }
0x12f: {  	(v2sf) =	vpush v0, $0x4;
	_ =	sdelay $0x2  }
0x130: {  	s23 =	sadd.s32 $0x10, s23  }
0x131: {  	(v2sf) =	vpush v0, $0x5;
	_ =	sdelay $0x1  }
0x132: {  	s21 =	sshra.s32 s22, $0x2;
	(v2sf) =	vpush v0, $0x6  }
0x133: {  	s0 =	sadd.s32 $0x280, s21;
	s2 =	sadd.s32 $0x200, s21  }
0x134: {  	s24 =	sadd.s32 $0x780, s21;
	s23 =	sadd.s32 $0x800, s21;
	s22 =	sadd.s32 $0x880, s21;
	(v2sf) =	vpush v0, $0x7  }
0x135: {  	s5 =	sadd.s32 $0x600, s21;
	s6 =	sadd.s32 $0x680, s21;
	s7 =	sadd.s32 $0x700, s21  }
0x136: {  	s8 =	sadd.s32 $0x500, s21;
	s9 =	sadd.s32 $0x580, s21;
	s13 =	spop (v2sf);
	(v2sf) =	vpush v0, $0x8  }
0x137: {  	s15 =	sadd.s32 $0x300, s21;
	s13 =	sand.u32 $0x1FFFFFF0, s13;
	s17 =	spop (v2sf)  }
0x138: {  	s25 =	sadd.s32 $0x480, s21;
	s13 =	sadd.s32 s3, s13;
	s26 =	spop (v2sf);
	(v2sf) =	vpush v0, $0x9  }
0x139: {  	[tilespmem:s2], [sflag:$0x1] =	stream.linear.gather [hbm4b:s13+s19], $0x80, $0x38;
	[tilespmem:$0x10400] =	vst v63  }
0x13a: {  	s30 =	sand.u32 $0x1FFFFFF0, s17;
	s29 =	sand.u32 $0x1FFFFFF0, s26;
	s31 =	spop (v2sf);
	(v2sf) =	vpush v0, $0xA  }
0x13b: {  	s26 =	sadd.s32 $0x400, s21;
	s2 =	sadd.s32 s3, s29;
	s28 =	spop (v2sf)  }
0x13c: {  	[tilespmem:s0], [sflag:$0x1] =	stream.linear.gather [hbm4b:s2+s19], $0x80, $0x38;
	(v2sf) =	vpush v0, $0xB;
	[tilespmem:$0x10400] =	vst v63  }
0x13d: {  	s13 =	sadd.s32 s3, s30;
	s30 =	sadd.s32 $0x380, s21;
	s17 =	sand.u32 $0x1FFFFFF0, s31  }
0x13e: {  	(v2sf) =	vpush v0, $0xC;
	[tilespmem:s15], [sflag:$0x1] =	stream.linear.gather [hbm4b:s13+s19], $0x80, $0x38;
	[tilespmem:$0x10400] =	vst v63  }
0x13f: {  	s29 =	sand.u32 $0x1FFFFFF0, s28;
	s2 =	sadd.s32 s3, s17;
	s31 =	spop (v2sf)  }
0x140: {  	[tilespmem:s30], [sflag:$0x1] =	stream.linear.gather [hbm4b:s2+s19], $0x80, $0x38;
	(v2sf) =	vpush v0, $0xD;
	[tilespmem:$0x10400] =	vst v63  }
0x141: {  	s2 =	sadd.s32 s3, s29;
	s13 =	sand.u32 $0x1FFFFFF0, s31;
	s15 =	spop (v2sf)  }
0x142: {  	(v2sf) =	vpush v0, $0xE;
	[tilespmem:s26], [sflag:$0x1] =	stream.linear.gather [hbm4b:s2+s19], $0x80, $0x38;
	[tilespmem:$0x10400] =	vst v63  }
0x143: {  	s17 =	sadd.s32 s3, s13;
	s26 =	sand.u32 $0x1FFFFFF0, s15;
	s28 =	spop (v2sf)  }
0x144: {  	(v2sf) =	vpush v0, $0xF;
	[tilespmem:s25], [sflag:$0x1] =	stream.linear.gather [hbm4b:s17+s19], $0x80, $0x38;
	[tilespmem:$0x10400] =	vst v63  }
0x145: {  	s29 =	sadd.s32 s3, s26;
	s30 =	sand.u32 $0x1FFFFFF0, s28;
	s31 =	spop (v2sf)  }
0x146: {  	[tilespmem:s8], [sflag:$0x1] =	stream.linear.gather [hbm4b:s29+s19], $0x80, $0x38;
	[tilespmem:$0x10400] =	vst v63  }
0x147: {  	s8 =	sadd.s32 s3, s30;
	s15 =	sand.u32 $0x1FFFFFF0, s31;
	s17 =	spop (v2sf)  }
0x148: {  	[tilespmem:s9], [sflag:$0x1] =	stream.linear.gather [hbm4b:s8+s19], $0x80, $0x38;
	[tilespmem:$0x10400] =	vst v63  }
0x149: {  	s25 =	sadd.s32 s3, s15;
	s26 =	sand.u32 $0x1FFFFFF0, s17;
	s28 =	spop (v2sf)  }
0x14a: {  	[tilespmem:s5], [sflag:$0x1] =	stream.linear.gather [hbm4b:s25+s19], $0x80, $0x38;
	[tilespmem:$0x10400] =	vst v63  }
0x14b: {  	s29 =	sadd.s32 s3, s26;
	s30 =	sand.u32 $0x1FFFFFF0, s28;
	s31 =	spop (v2sf)  }
0x14c: {  	[tilespmem:s6], [sflag:$0x1] =	stream.linear.gather [hbm4b:s29+s19], $0x80, $0x38;
	[tilespmem:$0x10400] =	vst v63  }
0x14d: {  	s2 =	sadd.s32 s3, s30;
	s5 =	sand.u32 $0x1FFFFFF0, s31;
	s6 =	spop (v2sf)  }
0x14e: {  	[tilespmem:s7], [sflag:$0x1] =	stream.linear.gather [hbm4b:s2+s19], $0x80, $0x38;
	[tilespmem:$0x10400] =	vst v63  }
0x14f: {  	s8 =	sadd.s32 s3, s5;
	s9 =	sand.u32 $0x1FFFFFF0, s6;
	s13 =	spop (v2sf)  }
0x150: {  	[tilespmem:s24], [sflag:$0x1] =	stream.linear.gather [hbm4b:s8+s19], $0x80, $0x38;
	[tilespmem:$0x10400] =	vst v63  }
0x151: {  	s15 =	sadd.s32 s3, s9;
	s17 =	sand.u32 $0x1FFFFFF0, s13;
	s24 =	spop (v2sf)  }
0x152: {  	[tilespmem:s23], [sflag:$0x1] =	stream.linear.gather [hbm4b:s15+s19], $0x80, $0x38;
	[tilespmem:$0x10400] =	vst v63  }
0x153: {  	s25 =	sadd.s32 s3, s17;
	s26 =	sand.u32 $0x1FFFFFF0, s24;
	s28 =	spop (v2sf)  }
0x154: {  	[tilespmem:s22], [sflag:$0x1] =	stream.linear.gather [hbm4b:s25+s19], $0x80, $0x38;
	[tilespmem:$0x10400] =	vst v63  }
0x155: {  	s29 =	sadd.s32 $0x900, s21;
	s2 =	sadd.s32 s3, s26;
	s5 =	sand.u32 $0x1FFFFFF0, s28  }
0x156: {  	[tilespmem:s29], [sflag:$0x1] =	stream.linear.gather [hbm4b:s2+s19], $0x80, $0x38;
	[tilespmem:$0x10400] =	vst v63  }
0x157: {  	s30 =	sadd.s32 $0x980, s21;
	s31 =	sadd.s32 s3, s5  }
0x158: {  	[tilespmem:s30], [sflag:$0x1] =	stream.linear.gather [hbm4b:s31+s19], $0x80, $0x38;
	[tilespmem:$0x10400] =	vst v63  }
0x159: {  	v0 =	vld [tilespmem:s20+$0x8300];
	_ =	sdelay $0x4  }
0x15a: {  	v0 =	vshll.u32 v0, $0x4  }
0x15b: {  	(v2sf) =	vpush v0, $0x0  }
0x15c: {  	(v2sf) =	vpush v0, $0x2  }
0x15d: {  	(v2sf) =	vpush v0, $0x1;
	_ =	sdelay $0x1  }
0x15e: {  	(v2sf) =	vpush v0, $0x3  }
0x15f: {  	(v2sf) =	vpush v0, $0x4;
	_ =	sdelay $0x2  }
0x160: {  	s21 =	simm.s32 $0x10;
	s20 =	simm.s32 $0x2000  }
.LBB2_12:
0x161: {  	p0 =	sne.s32 s20, $0x1E000;
	(v2sf) =	vpush v0, $0x5;
	s0 =	smov.u32 s20;
	s20 =	sadd.s32 $0x2000, s20  }
0x162: {  	s22 =	sshra.s32 s19, $0x2;
	s19 =	smov.u32 s0  }
0x163: {  	s2 =	sadd.s32 $0x8480, s22;
	(v2sf) =	vpush v0, $0x6  }
0x164: {  	s5 =	sadd.s32 $0x8400, s22  }
0x165: {  	s25 =	sadd.s32 $0x8980, s22;
	s24 =	sadd.s32 $0x8A00, s22;
	s23 =	sadd.s32 $0x8A80, s22;
	(v2sf) =	vpush v0, $0x7  }
0x166: {  	s29 =	sadd.s32 $0x8800, s22;
	s28 =	sadd.s32 $0x8880, s22;
	s26 =	sadd.s32 $0x8900, s22  }
0x167: {  	s6 =	sadd.s32 $0x8700, s22;
	s0 =	sadd.s32 $0x8780, s22;
	s7 =	spop (v2sf);
	(v2sf) =	vpush v0, $0x8  }
0x168: {  	s8 =	sadd.s32 $0x8500, s22;
	s7 =	sand.u32 $0x1FFFFFF0, s7;
	s9 =	spop (v2sf)  }
0x169: {  	s13 =	sadd.s32 $0x8680, s22;
	s7 =	sadd.s32 s4, s7;
	s15 =	spop (v2sf);
	(v2sf) =	vpush v0, $0x9  }
0x16a: {  	[tilespmem:s5], [sflag:$0x2] =	stream.linear.gather [hbm4b:s7+s1], $0x80, $0x38;
	[tilespmem:$0x10400] =	vst v63  }
0x16b: {  	s5 =	sand.u32 $0x1FFFFFF0, s15;
	s7 =	sand.u32 $0x1FFFFFF0, s9;
	s9 =	spop (v2sf);
	(v2sf) =	vpush v0, $0xA  }
0x16c: {  	s15 =	sadd.s32 $0x8600, s22;
	s5 =	sadd.s32 s4, s5;
	s17 =	spop (v2sf)  }
0x16d: {  	[tilespmem:s2], [sflag:$0x2] =	stream.linear.gather [hbm4b:s5+s1], $0x80, $0x38;
	(v2sf) =	vpush v0, $0xB;
	[tilespmem:$0x10400] =	vst v63  }
0x16e: {  	s2 =	sadd.s32 s4, s7;
	s5 =	sand.u32 $0x1FFFFFF0, s9;
	s7 =	sand.u32 $0x1FFFFFF0, s17  }
0x16f: {  	[tilespmem:s8], [sflag:$0x2] =	stream.linear.gather [hbm4b:s2+s1], $0x80, $0x38;
	(v2sf) =	vpush v0, $0xC;
	[tilespmem:$0x10400] =	vst v63  }
0x170: {  	s5 =	sadd.s32 s4, s5;
	s2 =	sadd.s32 $0x8580, s22;
	s8 =	spop (v2sf)  }
0x171: {  	[tilespmem:s2], [sflag:$0x2] =	stream.linear.gather [hbm4b:s5+s1], $0x80, $0x38;
	(v2sf) =	vpush v0, $0xD;
	[tilespmem:$0x10400] =	vst v63  }
0x172: {  	s2 =	sadd.s32 s4, s7;
	s5 =	sand.u32 $0x1FFFFFF0, s8;
	s7 =	spop (v2sf)  }
0x173: {  	[tilespmem:s15], [sflag:$0x2] =	stream.linear.gather [hbm4b:s2+s1], $0x80, $0x38;
	(v2sf) =	vpush v0, $0xE;
	[tilespmem:$0x10400] =	vst v63  }
0x174: {  	s2 =	sadd.s32 s4, s5;
	s5 =	sand.u32 $0x1FFFFFF0, s7;
	s7 =	spop (v2sf)  }
0x175: {  	[tilespmem:s13], [sflag:$0x2] =	stream.linear.gather [hbm4b:s2+s1], $0x80, $0x38;
	(v2sf) =	vpush v0, $0xF;
	[tilespmem:$0x10400] =	vst v63  }
0x176: {  	s2 =	sadd.s32 s4, s5;
	s5 =	sand.u32 $0x1FFFFFF0, s7;
	s7 =	spop (v2sf)  }
0x177: {  	[tilespmem:s6], [sflag:$0x2] =	stream.linear.gather [hbm4b:s2+s1], $0x80, $0x38;
	[tilespmem:$0x10400] =	vst v63  }
0x178: {  	s2 =	sadd.s32 s4, s5;
	s5 =	sand.u32 $0x1FFFFFF0, s7;
	s6 =	spop (v2sf)  }
0x179: {  	[tilespmem:s0], [sflag:$0x2] =	stream.linear.gather [hbm4b:s2+s1], $0x80, $0x38;
	[tilespmem:$0x10400] =	vst v63  }
0x17a: {  	s0 =	sadd.s32 s4, s5;
	s2 =	sand.u32 $0x1FFFFFF0, s6;
	s5 =	spop (v2sf)  }
0x17b: {  	[tilespmem:s29], [sflag:$0x2] =	stream.linear.gather [hbm4b:s0+s1], $0x80, $0x38;
	[tilespmem:$0x10400] =	vst v63  }
0x17c: {  	s0 =	sadd.s32 s4, s2;
	s2 =	sand.u32 $0x1FFFFFF0, s5;
	s5 =	spop (v2sf)  }
0x17d: {  	[tilespmem:s28], [sflag:$0x2] =	stream.linear.gather [hbm4b:s0+s1], $0x80, $0x38;
	[tilespmem:$0x10400] =	vst v63  }
0x17e: {  	s0 =	sadd.s32 s4, s2;
	s2 =	sand.u32 $0x1FFFFFF0, s5;
	s5 =	spop (v2sf)  }
0x17f: {  	[tilespmem:s26], [sflag:$0x2] =	stream.linear.gather [hbm4b:s0+s1], $0x80, $0x38;
	[tilespmem:$0x10400] =	vst v63  }
0x180: {  	s0 =	sadd.s32 s4, s2;
	s2 =	sand.u32 $0x1FFFFFF0, s5;
	s5 =	spop (v2sf)  }
0x181: {  	[tilespmem:s25], [sflag:$0x2] =	stream.linear.gather [hbm4b:s0+s1], $0x80, $0x38;
	[tilespmem:$0x10400] =	vst v63  }
0x182: {  	s0 =	sadd.s32 s4, s2;
	s2 =	sand.u32 $0x1FFFFFF0, s5;
	s5 =	spop (v2sf)  }
0x183: {  	[tilespmem:s24], [sflag:$0x2] =	stream.linear.gather [hbm4b:s0+s1], $0x80, $0x38;
	[tilespmem:$0x10400] =	vst v63  }
0x184: {  	s0 =	sadd.s32 s4, s2;
	s2 =	sand.u32 $0x1FFFFFF0, s5;
	s5 =	spop (v2sf)  }
0x185: {  	[tilespmem:s23], [sflag:$0x2] =	stream.linear.gather [hbm4b:s0+s1], $0x80, $0x38;
	[tilespmem:$0x10400] =	vst v63  }
0x186: {  	s2 =	sadd.s32 s4, s2;
	s0 =	sadd.s32 $0x8B00, s22;
	s5 =	sand.u32 $0x1FFFFFF0, s5  }
0x187: {  	[tilespmem:s0], [sflag:$0x2] =	stream.linear.gather [hbm4b:s2+s1], $0x80, $0x38;
	[tilespmem:$0x10400] =	vst v63  }
0x188: {  	s5 =	sadd.s32 s4, s5;
	s0 =	sand.u32 $0xF0, s21;
	s2 =	sadd.s32 $0x8B80, s22  }
0x189: {  	[tilespmem:s2], [sflag:$0x2] =	stream.linear.gather [hbm4b:s5+s1], $0x80, $0x38;
	[tilespmem:$0x10400] =	vst v63  }
0x18a: {  	v0 =	vld [tilespmem:s0+$0x8300];
	_ =	sdelay $0x4  }
0x18b: {  	v0 =	vshll.u32 v0, $0x4  }
0x18c: {  	(v2sf) =	vpush v0, $0x0  }
0x18d: {  	(v2sf) =	vpush v0, $0x2  }
0x18e: {  	(v2sf) =	vpush v0, $0x1;
	_ =	sdelay $0x1  }
.Ltmp5:
0x18f: {  	(v2sf) =	vpush v0, $0x3;
	(pc) =	sbr.rel @p0 .LBB2_12-.Ltmp5, $2  }
0x190: {  	(v2sf) =	vpush v0, $0x4;
	_ =	sdelay $0x2  }
0x191: {  	s21 =	sadd.s32 $0x10, s21  }
0x192: {  	(v2sf) =	vpush v0, $0x5;
	_ =	sdelay $0x1  }
0x193: {  	s19 =	sshra.s32 s19, $0x2;
	(v2sf) =	vpush v0, $0x6  }
0x194: {  	s0 =	sadd.s32 $0x8480, s19;
	s2 =	sadd.s32 $0x8400, s19  }
0x195: {  	s22 =	sadd.s32 $0x8980, s19;
	s21 =	sadd.s32 $0x8A00, s19;
	s20 =	sadd.s32 $0x8A80, s19;
	(v2sf) =	vpush v0, $0x7  }
0x196: {  	s5 =	sadd.s32 $0x8800, s19;
	s6 =	sadd.s32 $0x8880, s19;
	s7 =	sadd.s32 $0x8900, s19  }
0x197: {  	s8 =	sadd.s32 $0x8700, s19;
	s9 =	sadd.s32 $0x8780, s19;
	s13 =	spop (v2sf);
	(v2sf) =	vpush v0, $0x8  }
0x198: {  	s15 =	sadd.s32 $0x8500, s19;
	s13 =	sand.u32 $0x1FFFFFF0, s13;
	s17 =	spop (v2sf)  }
0x199: {  	s23 =	sadd.s32 $0x8680, s19;
	s13 =	sadd.s32 s4, s13;
	s24 =	spop (v2sf);
	(v2sf) =	vpush v0, $0x9  }
0x19a: {  	[tilespmem:s2], [sflag:$0x2] =	stream.linear.gather [hbm4b:s13+s1], $0x80, $0x38;
	[tilespmem:$0x10400] =	vst v63  }
0x19b: {  	s26 =	sand.u32 $0x1FFFFFF0, s17;
	s25 =	sand.u32 $0x1FFFFFF0, s24;
	s28 =	spop (v2sf);
	(v2sf) =	vpush v0, $0xA  }
0x19c: {  	s24 =	sadd.s32 $0x8600, s19;
	s2 =	sadd.s32 s4, s25;
	s25 =	spop (v2sf)  }
0x19d: {  	[tilespmem:s0], [sflag:$0x2] =	stream.linear.gather [hbm4b:s2+s1], $0x80, $0x38;
	(v2sf) =	vpush v0, $0xB;
	[tilespmem:$0x10400] =	vst v63  }
0x19e: {  	s29 =	sadd.s32 s4, s26;
	s30 =	sand.u32 $0x1FFFFFF0, s28;
	s31 =	sand.u32 $0x1FFFFFF0, s25  }
0x19f: {  	(v2sf) =	vpush v0, $0xC;
	[tilespmem:s15], [sflag:$0x2] =	stream.linear.gather [hbm4b:s29+s1], $0x80, $0x38;
	[tilespmem:$0x10400] =	vst v63  }
0x1a0: {  	s2 =	sadd.s32 s4, s30;
	s15 =	sadd.s32 $0x8580, s19;
	s17 =	spop (v2sf)  }
0x1a1: {  	[tilespmem:s15], [sflag:$0x2] =	stream.linear.gather [hbm4b:s2+s1], $0x80, $0x38;
	(v2sf) =	vpush v0, $0xD;
	[tilespmem:$0x10400] =	vst v63  }
0x1a2: {  	s25 =	sadd.s32 s4, s31;
	s26 =	sand.u32 $0x1FFFFFF0, s17;
	s28 =	spop (v2sf)  }
0x1a3: {  	(v2sf) =	vpush v0, $0xE;
	[tilespmem:s24], [sflag:$0x2] =	stream.linear.gather [hbm4b:s25+s1], $0x80, $0x38;
	[tilespmem:$0x10400] =	vst v63  }
0x1a4: {  	s29 =	sadd.s32 s4, s26;
	s30 =	sand.u32 $0x1FFFFFF0, s28;
	s31 =	spop (v2sf)  }
0x1a5: {  	(v2sf) =	vpush v0, $0xF;
	[tilespmem:s23], [sflag:$0x2] =	stream.linear.gather [hbm4b:s29+s1], $0x80, $0x38;
	[tilespmem:$0x10400] =	vst v63  }
0x1a6: {  	s2 =	sadd.s32 s4, s30;
	s13 =	sand.u32 $0x1FFFFFF0, s31;
	s15 =	spop (v2sf)  }
0x1a7: {  	[tilespmem:s8], [sflag:$0x2] =	stream.linear.gather [hbm4b:s2+s1], $0x80, $0x38;
	[tilespmem:$0x10400] =	vst v63  }
0x1a8: {  	s17 =	sadd.s32 s4, s13;
	s23 =	sand.u32 $0x1FFFFFF0, s15;
	s24 =	spop (v2sf)  }
0x1a9: {  	[tilespmem:s9], [sflag:$0x2] =	stream.linear.gather [hbm4b:s17+s1], $0x80, $0x38;
	[tilespmem:$0x10400] =	vst v63  }
0x1aa: {  	s25 =	sadd.s32 s4, s23;
	s26 =	sand.u32 $0x1FFFFFF0, s24;
	s28 =	spop (v2sf)  }
0x1ab: {  	[tilespmem:s5], [sflag:$0x2] =	stream.linear.gather [hbm4b:s25+s1], $0x80, $0x38;
	[tilespmem:$0x10400] =	vst v63  }
0x1ac: {  	s29 =	sadd.s32 s4, s26;
	s30 =	sand.u32 $0x1FFFFFF0, s28;
	s31 =	spop (v2sf)  }
0x1ad: {  	[tilespmem:s6], [sflag:$0x2] =	stream.linear.gather [hbm4b:s29+s1], $0x80, $0x38;
	[tilespmem:$0x10400] =	vst v63  }
0x1ae: {  	s6 =	sadd.s32 s4, s30;
	s8 =	sand.u32 $0x1FFFFFF0, s31;
	s9 =	spop (v2sf)  }
0x1af: {  	[tilespmem:s7], [sflag:$0x2] =	stream.linear.gather [hbm4b:s6+s1], $0x80, $0x38;
	[tilespmem:$0x10400] =	vst v63  }
0x1b0: {  	s13 =	sadd.s32 s4, s8;
	s15 =	sand.u32 $0x1FFFFFF0, s9;
	s17 =	spop (v2sf)  }
0x1b1: {  	[tilespmem:s22], [sflag:$0x2] =	stream.linear.gather [hbm4b:s13+s1], $0x80, $0x38;
	[tilespmem:$0x10400] =	vst v63  }
0x1b2: {  	s22 =	sadd.s32 s4, s15;
	s23 =	sand.u32 $0x1FFFFFF0, s17;
	s24 =	spop (v2sf)  }
0x1b3: {  	[tilespmem:s21], [sflag:$0x2] =	stream.linear.gather [hbm4b:s22+s1], $0x80, $0x38;
	[tilespmem:$0x10400] =	vst v63  }
0x1b4: {  	s25 =	sadd.s32 s4, s23;
	s26 =	sand.u32 $0x1FFFFFF0, s24;
	s28 =	spop (v2sf)  }
0x1b5: {  	[tilespmem:s20], [sflag:$0x2] =	stream.linear.gather [hbm4b:s25+s1], $0x80, $0x38;
	[tilespmem:$0x10400] =	vst v63  }
0x1b6: {  	s29 =	sadd.s32 $0x8B00, s19;
	s2 =	sadd.s32 s4, s26;
	s5 =	sand.u32 $0x1FFFFFF0, s28  }
0x1b7: {  	[tilespmem:s29], [sflag:$0x2] =	stream.linear.gather [hbm4b:s2+s1], $0x80, $0x38;
	[tilespmem:$0x10400] =	vst v63  }
0x1b8: {  	s30 =	sadd.s32 $0x8B80, s19;
	s31 =	sadd.s32 s4, s5  }
0x1b9: {  	[tilespmem:s30], [sflag:$0x2] =	stream.linear.gather [hbm4b:s31+s1], $0x80, $0x38;
	[tilespmem:$0x10400] =	vst v63  }
0x1ba: {  	_ =	swait.ge [sflag:s14], $0x80  }
0x1bb: {  	s0 =	simm.s32 $0xFF;
	[sflag:s14] =	ssyncset.done $0x0  }
.LBB2_14:
0x1bc: {  	p0 =	sne.s32 s0, $0x1;
	s0 =	sadd.s32 $0xFFFFFFFF, s0;
	[sflag:s14] =	ssyncadd.s32 $0xFFFFFF80  }
.Ltmp6:
0x1bd: {  	(pc) =	sbr.rel @p0 .LBB2_14-.Ltmp6, $3  }
0x1be: {  	_ =	sdelay $0x1  }
0x1bf: {  	_ =	swait.ge [sflag:s14], $0x80  }
0x1c0: {  	[sflag:s14] =	ssyncset.done $0x0  }
0x1c1: {  	[sflag:s14] =	ssyncadd.s32 $0xFFFFFF80;
	s0 =	rddreg [dreg:$0x8];
	s9 =	simm.s32 $0x200  }
0x1c2: {  	[hbm4b:s0+s1] =	stream.linear.scatter [tilespmem:s9], [sflag:$0x3], $0x8000, $0x38;
	[tilespmem:$0x10400] =	vst v63  }
0x1c3: {  	_ =	swait.ge [sflag:s12], $0x8000  }
0x1c4: {  	[sflag:s12] =	ssyncset.done $0x0  }
0x1c5: {  	[sflag:s12] =	ssyncadd.s32 $0xFFFF8000  }
0x1c6: {  	_ =	swait.ge [sflag:s16], $0x80  }
0x1c7: {  	s0 =	simm.s32 $0xFF;
	[sflag:s16] =	ssyncset.done $0x0  }
.LBB2_16:
0x1c8: {  	p0 =	sne.s32 s0, $0x1;
	s0 =	sadd.s32 $0xFFFFFFFF, s0;
	[sflag:s16] =	ssyncadd.s32 $0xFFFFFF80  }
.Ltmp7:
0x1c9: {  	(pc) =	sbr.rel @p0 .LBB2_16-.Ltmp7, $3  }
0x1ca: {  	_ =	sdelay $0x1  }
0x1cb: {  	_ =	swait.ge [sflag:s16], $0x80  }
0x1cc: {  	[sflag:s16] =	ssyncset.done $0x0  }
0x1cd: {  	s18 =	sadd.s32 $0x1, s18  }
0x1ce: {  	p0 =	sne.s32 s18, s11  }
.Ltmp8:
0x1cf: {  	[sflag:s16] =	ssyncadd.s32 $0xFFFFFF80;
	s0 =	simm.s32 $0x8400;
	(pc) =	sbr.rel @p0 .LBB2_1-.Ltmp8, $4  }
0x1d0: {  	[hbm4b:s10+s1] =	stream.linear.scatter [tilespmem:s0], [sflag:$0x3], $0x8000, $0x38;
	[tilespmem:$0x10400] =	vst v63  }
0x1d1: {  	_ =	swait.ge [sflag:s12], $0x8000  }
0x1d2: {  	[sflag:s12] =	ssyncset.done $0x0  }
0x1d3: {  	[sflag:s12] =	ssyncadd.s32 $0xFFFF8000  }
0x1d4: {  	_ =	sfence.sel $0x180000  }
0x1d5: {  	[bflag:$0x0] =	sbarrier.arrive $0xFFFF  }
0x1d6: {  	_ =	strace $0x90000047  }
0x1d7: {  	s0 =	stileid.u32;
	[bflag:$0x2] =	sbarrier.arrive $0xFFFF  }
0x1d8: {  	p0 =	sne.s32 s0, $0x0;
	s0 =	rddreg [dreg:$0x3]  }
0x1d9: {  	s0 =	sadd.s32 @!p0 $0x100000, s0  }
0x1da: {  	[sflag:s0] =	ssyncadd.tile.s32 @!p0 $0x1;
	_ =	shalt  }
.Lfunc_end2:
_tile_overlayer_lowered:
.L_overlay_start_2:
0x1db: {  	(tag) =	ssettag $0x2  }
0x1dc: {  	s0 =	rddreg [dreg:$0x0];
	s2 =	stileid.u32  }
0x1dd: {  	s1 =	rddreg [dreg:$0x1];
	p0 =	sne.s32 s2, $0x0  }
0x1de: {  	s3 =	rddreg [dreg:$0x2];
	[bflag:$0x3] =	sbarrier.arrive $0xFFFF;
	s2 =	simm.s32 @!p0 $0x1C03  }
0x1df: {  	[timem:s3], [sflag:s2] =	dma.local @!p0 [hbm:s0], s1  }
0x1e0: {  	s0 =	simm.s32 @!p0 $0x3  }
0x1e1: {  	_ =	swait.ge @!p0 [sflag:s0], s1  }
0x1e2: {  	s1 =	ssub.s32 @!p0 $0x0, s1;
	[sflag:s0] =	ssyncset.done @!p0 $0x0  }
0x1e3: {  	[sflag:s0] =	ssyncadd.s32 @!p0 s1  }
0x1e4: {  	[bflag:$0x3] =	sbarrier.arrive $0xFFFF  }
0x1e5: {  	_ =	shalt  }

</sc_bundles>
